<compile_context>
chip_gen: v7x
topology: tpu7x:2x2x1
jax: 0.10.2.dev20260603
libtpu: 0.0.44.dev20260713+nightly
codegen_flags: <defaults>
</compile_context>

<pallas_src>
import functools

import jax
import jax.numpy as jnp
from jax import lax
from jax.experimental import pallas as pl
from jax.experimental.pallas import tpu as pltpu
from jax.experimental.pallas import tpu_sc as plsc

_N = 10000
_E = 320000
_HID = 128
_NC, _NS, _L = 2, 16, 16
_NW = _NC * _NS
_CH1 = 100
_CPW1 = _E // _CH1 // _NW
_CH2 = 100
_CPW2 = _E // _CH2 // _NW
_RPS = _N // _NS

_MESH = plsc.VectorSubcoreMesh(
    core_axis_name="c", subcore_axis_name="s", num_cores=_NC, num_subcores=_NS)
_SC_PARAMS = pltpu.CompilerParams(use_tc_tiling_on_sc=False)

_f32 = jnp.float32


def _zero_accum(zbuf, nrows, accum, s):
    zeros = jnp.zeros((_L,), _f32)

    def zb(r, _):
        for q in range(_HID // _L):
            zbuf[r, pl.ds(q * _L, _L)] = zeros
        return 0

    lax.fori_loop(0, nrows, zb, 0)
    nfull, rem = _RPS // nrows, _RPS % nrows
    for t in range(nfull):
        pltpu.sync_copy(zbuf, accum.at[pl.ds(s * _RPS + t * nrows, nrows)])
    if rem:
        pltpu.sync_copy(zbuf.at[pl.ds(0, rem)],
                        accum.at[pl.ds(s * _RPS + nfull * nrows, rem)])


@functools.partial(
    pl.kernel,
    out_type=jax.ShapeDtypeStruct((_NC, _N, _HID), _f32),
    mesh=_MESH,
    compiler_params=_SC_PARAMS,
    scratch_types=[
        pltpu.VMEM((_CH1, _HID), _f32),
        pltpu.VMEM((_CH1, _HID), _f32),
        pltpu.VMEM((_CH1,), jnp.int32),
        pltpu.VMEM((_CH1,), jnp.int32),
        pltpu.VMEM_SHARED((_N, _HID), _f32),
        pltpu.SemaphoreType.DMA,
        pltpu.SemaphoreType.DMA,
    ],
)
def _sc_segsum(e_hbm, idx_hbm, out_hbm, rows0, rows1, idx0, idx1,
               accum, insem0, insem1):
    c = lax.axis_index("c")
    s = lax.axis_index("s")
    _zero_accum(rows0, _CH1, accum, s)
    plsc.subcore_barrier()

    rows = (rows0, rows1)
    idxs = (idx0, idx1)
    insems = (insem0, insem1)
    base = (c * _NS + s) * _CPW1

    def in_copies(k, b):
        return (
            pltpu.make_async_copy(
                e_hbm.at[1, pl.ds(k * _CH1, _CH1), :], rows[b], insems[b]),
            pltpu.make_async_copy(idx_hbm.at[k], idxs[b], insems[b]),
        )

    for cp in in_copies(base, 0):
        cp.start()

    def step(q, b):
        k = base + q
        for cp in in_copies(k, b):
            cp.wait()

        @pl.when(q + 1 < _CPW1)
        def _():
            for cp in in_copies(k + 1, 1 - b):
                cp.start()

        pltpu.sync_copy(rows[b], accum.at[idxs[b]], add=True)

    def outer(t, _):
        step(t * 2, 0)
        step(t * 2 + 1, 1)
        return 0

    lax.fori_loop(0, _CPW1 // 2, outer, 0)

    plsc.subcore_barrier()
    sl = pl.ds(s * _RPS, _RPS)
    pltpu.sync_copy(accum.at[sl], out_hbm.at[c, sl, :])


@functools.partial(
    pl.kernel,
    out_type=jax.ShapeDtypeStruct((_NC, _N, _HID), _f32),
    mesh=_MESH,
    compiler_params=_SC_PARAMS,
    scratch_types=[
        pltpu.VMEM((_CH2, _HID), _f32),
        pltpu.VMEM((_CH2, _HID), _f32),
        pltpu.VMEM((_CH2, _HID), _f32),
        pltpu.VMEM((_CH2,), jnp.int32),
        pltpu.VMEM((_CH2,), jnp.int32),
        pltpu.VMEM((_CH2,), jnp.int32),
        pltpu.VMEM((_CH2,), jnp.int32),
        pltpu.VMEM_SHARED((_N, _HID), _f32),
        pltpu.SemaphoreType.DMA,
        pltpu.SemaphoreType.DMA,
        pltpu.SemaphoreType.DMA,
        pltpu.SemaphoreType.DMA,
        pltpu.SemaphoreType.DMA,
    ],
)
def _sc_gather_mul_segsum(wh_hbm, jdx_hbm, idst_hbm, tab_hbm, out_hbm,
                          wrows, grows0, grows1, jdx0, jdx1,
                          ddx0, ddx1, accum, insemw, insemi0, insemi1,
                          gsem0, gsem1):
    c = lax.axis_index("c")
    s = lax.axis_index("s")
    _zero_accum(wrows, _CH2, accum, s)
    plsc.subcore_barrier()

    grows = (grows0, grows1)
    jdxs = (jdx0, jdx1)
    ddxs = (ddx0, ddx1)
    insemis = (insemi0, insemi1)
    gsems = (gsem0, gsem1)
    base = (c * _NS + s) * _CPW2

    def idx_copies(k, b):
        return (
            pltpu.make_async_copy(jdx_hbm.at[k], jdxs[b], insemis[b]),
            pltpu.make_async_copy(idst_hbm.at[k], ddxs[b], insemis[b]),
        )

    def wh_copy(k):
        return pltpu.make_async_copy(
            wh_hbm.at[pl.ds(k * _CH2, _CH2), :], wrows, insemw)

    def gath(b):
        return pltpu.make_async_copy(tab_hbm.at[jdxs[b]], grows[b], gsems[b])

    def mul(b):
        def body(r, _):
            for qq in range(_HID // _L):
                sl2 = pl.ds(qq * _L, _L)
                wrows[r, sl2] = wrows[r, sl2] * grows[b][r, sl2]
            return 0

        lax.fori_loop(0, _CH2, body, 0)

    def step(q, b):
        k = base + q

        @pl.when(q + 1 < _CPW2)
        def _():
            for cp in idx_copies(k + 1, 1 - b):
                cp.wait()

        gath(b).wait()
        wh_copy(k).wait()

        @pl.when(q + 1 < _CPW2)
        def _():
            pltpu.async_copy(tab_hbm.at[jdxs[1 - b]], grows[1 - b],
                             gsems[1 - b])

        mul(b)
        pltpu.sync_copy(wrows, accum.at[ddxs[b]], add=True)

        @pl.when(q + 2 < _CPW2)
        def _():
            for cp in idx_copies(k + 2, b):
                cp.start()

        @pl.when(q + 1 < _CPW2)
        def _():
            wh_copy(k + 1).start()

    for cp in idx_copies(base, 0):
        cp.start()
    for cp in idx_copies(base, 0):
        cp.wait()
    pltpu.async_copy(tab_hbm.at[jdxs[0]], grows[0], gsems[0])
    for cp in idx_copies(base + 1, 1):
        cp.start()
    wh_copy(base).start()

    def outer(t, _):
        step(t * 2, 0)
        step(t * 2 + 1, 1)
        return 0

    lax.fori_loop(0, _CPW2 // 2, outer, 0)

    plsc.subcore_barrier()
    sl = pl.ds(s * _RPS, _RPS)
    pltpu.sync_copy(accum.at[sl], out_hbm.at[c, sl, :])


def _silu(x):
    return x * (1.0 / (1.0 + jnp.exp(-x)))


def _edge_mlp_body(x_ref, w0_ref, b0_ref, w1_ref, b1_ref, o_ref):
    h = jnp.dot(x_ref[...], w0_ref[...], preferred_element_type=_f32) + b0_ref[...]
    h = _silu(h)
    o_ref[...] = jnp.dot(h, w1_ref[...], preferred_element_type=_f32) + b1_ref[...]


def _edge_mlp(fea, w0, b0, w1, b1):
    blk = 2000
    grid = (_E // blk,)
    return pl.pallas_call(
        _edge_mlp_body,
        grid=grid,
        in_specs=[
            pl.BlockSpec((blk, 16), lambda g: (g, 0)),
            pl.BlockSpec((16, 128), lambda g: (0, 0)),
            pl.BlockSpec((128,), lambda g: (0,)),
            pl.BlockSpec((128, 128), lambda g: (0, 0)),
            pl.BlockSpec((128,), lambda g: (0,)),
        ],
        out_specs=pl.BlockSpec((blk, 128), lambda g: (g, 0)),
        out_shape=jax.ShapeDtypeStruct((_E, 128), _f32),
    )(fea, w0, b0, w1, b1)


def _vh_body(p_ref, w_ref, v_ref, vh_ref):
    v = p_ref[0] + p_ref[1]
    v_ref[...] = v
    vh_ref[...] = jnp.dot(v, w_ref[...], preferred_element_type=_f32)


def _v_vhull(parts, w):
    blk = 2000
    grid = (_N // blk,)
    return pl.pallas_call(
        _vh_body,
        grid=grid,
        in_specs=[
            pl.BlockSpec((_NC, blk, 128), lambda g: (0, g, 0)),
            pl.BlockSpec((128, 128), lambda g: (0, 0)),
        ],
        out_specs=[
            pl.BlockSpec((blk, 128), lambda g: (g, 0)),
            pl.BlockSpec((blk, 128), lambda g: (g, 0)),
        ],
        out_shape=[
            jax.ShapeDtypeStruct((_N, 128), _f32),
            jax.ShapeDtypeStruct((_N, 128), _f32),
        ],
    )(parts, w)


def _tail_body(v_ref, p_ref, w1h, b1h, w2h, b2h, wcv, wco, bc, wu, bu,
               wl0, bl0, wl1, bl1, wo, o_ref):
    oh = p_ref[0] + p_ref[1]
    oh = _silu(jnp.dot(oh, w1h[...], preferred_element_type=_f32) + b1h[...])
    oh = jnp.dot(oh, w2h[...], preferred_element_type=_f32) + b2h[...]
    v = v_ref[...]
    t = _silu(jnp.dot(v, wcv[...], preferred_element_type=_f32)
              + jnp.dot(oh, wco[...], preferred_element_type=_f32) + bc[...])
    u = jnp.dot(t, wu[...], preferred_element_type=_f32) + bu[...]
    u = _silu(jnp.dot(u, wl0[...], preferred_element_type=_f32) + bl0[...])
    u = _silu(jnp.dot(u, wl1[...], preferred_element_type=_f32) + bl1[...])
    o_ref[...] = jnp.dot(u, wo[...], preferred_element_type=_f32)


def _tail(v, parts, W_lin1h, b_lin1h, W_lin2h, b_lin2h, W_cat, b_cat,
          W_up, b_up, W_l0, b_l0, W_l1, b_l1, W_out):
    blk = 2000
    grid = (_N // blk,)
    wcv = W_cat[:128]
    wco = W_cat[128:]
    full = lambda *shape: pl.BlockSpec(shape, lambda g: (0,) * len(shape))
    return pl.pallas_call(
        _tail_body,
        grid=grid,
        in_specs=[
            pl.BlockSpec((blk, 128), lambda g: (g, 0)),
            pl.BlockSpec((_NC, blk, 128), lambda g: (0, g, 0)),
            full(128, 128), full(128,), full(128, 256), full(256,),
            full(128, 128), full(256, 128), full(128,),
            full(128, 256), full(256,),
            full(256, 256), full(256,), full(256, 256), full(256,),
            full(256, 128),
        ],
        out_specs=pl.BlockSpec((blk, 128), lambda g: (g, 0)),
        out_shape=jax.ShapeDtypeStruct((_N, 128), _f32),
    )(v, parts, W_lin1h, b_lin1h, W_lin2h, b_lin2h, wcv, wco, b_cat,
      W_up, b_up, W_l0, b_l0, W_l1, b_l1, W_out)


def kernel(e, i, fea_hull, edge_index_hull, W_lin_hull, W_mlp0, b_mlp0,
           W_mlp1, b_mlp1, W_lin1h, b_lin1h, W_lin2h, b_lin2h, W_cat, b_cat,
           W_up, b_up, W_l0, b_l0, W_l1, b_l1, W_out):
    i_r = i.astype(jnp.int32).reshape(_E // _CH1, _CH1)
    eih = edge_index_hull.astype(jnp.int32).reshape(2, _E // _CH2, _CH2)

    W_h = _edge_mlp(fea_hull, W_mlp0, b_mlp0, W_mlp1, b_mlp1)
    v_parts = _sc_segsum(e, i_r)
    v, v_hull = _v_vhull(v_parts, W_lin_hull)
    oh_parts = _sc_gather_mul_segsum(W_h, eih[0], eih[1], v_hull)
    return _tail(v, oh_parts, W_lin1h, b_lin1h, W_lin2h, b_lin2h,
                 W_cat, b_cat, W_up, b_up, W_l0, b_l0, W_l1, b_l1, W_out)

# --- scband reference (transcript-rebuilt; emitter-appended) ---
"""Pipeline reference for scband-update-v-79044578116056 (READ-ONLY COPY).

The authoritative reference and input builder live on the scoring server;
editing this copy changes nothing except your own understanding.
"""

import jax, jax.numpy as jnp
import numpy as np

N = 10000
E = 320000
E_HULL = 320000
HID = 128
OUT_EMB = 256
OUT = 128
NF = 128
FEA = 16
LIN2_OUT = int(2 * OUT_EMB * (1 - 0.5))  # 256
CAT_IN = LIN2_OUT + HID  # 384


def setup_inputs(seed: int = 0) -> dict:
    key = jax.random.key(seed)
    ks = jax.random.split(key, 24)
    e = jax.random.normal(ks[0], (2, E, HID), dtype=jnp.float32)
    i = jax.random.randint(ks[1], (E,), 0, N, dtype=jnp.int64) if jax.config.jax_enable_x64 else jax.random.randint(ks[1], (E,), 0, N, dtype=jnp.int32)
    fea_hull = jax.random.normal(ks[2], (E_HULL, FEA), dtype=jnp.float32)
    edge_index_hull = jax.random.randint(ks[3], (2, E_HULL), 0, N, dtype=jnp.int32)
    s = 0.05
    W_lin_hull = jax.random.normal(ks[4], (HID, NF), dtype=jnp.float32) * s
    W_mlp0 = jax.random.normal(ks[5], (FEA, NF), dtype=jnp.float32) * s
    b_mlp0 = jnp.zeros((NF,), dtype=jnp.float32)
    W_mlp1 = jax.random.normal(ks[6], (NF, NF), dtype=jnp.float32) * s
    b_mlp1 = jnp.zeros((NF,), dtype=jnp.float32)
    W_lin1h = jax.random.normal(ks[7], (NF, HID), dtype=jnp.float32) * s
    b_lin1h = jnp.zeros((HID,), dtype=jnp.float32)
    W_lin2h = jax.random.normal(ks[8], (HID, LIN2_OUT), dtype=jnp.float32) * s
    b_lin2h = jnp.zeros((LIN2_OUT,), dtype=jnp.float32)
    W_cat = jax.random.normal(ks[9], (CAT_IN, HID), dtype=jnp.float32) * s
    b_cat = jnp.zeros((HID,), dtype=jnp.float32)
    W_up = jax.random.normal(ks[10], (HID, OUT_EMB), dtype=jnp.float32) * s
    b_up = jnp.zeros((OUT_EMB,), dtype=jnp.float32)
    W_l0 = jax.random.normal(ks[11], (OUT_EMB, OUT_EMB), dtype=jnp.float32) * s
    b_l0 = jnp.zeros((OUT_EMB,), dtype=jnp.float32)
    W_l1 = jax.random.normal(ks[12], (OUT_EMB, OUT_EMB), dtype=jnp.float32) * s
    b_l1 = jnp.zeros((OUT_EMB,), dtype=jnp.float32)
    W_out = jax.random.normal(ks[13], (OUT_EMB, OUT), dtype=jnp.float32) * s
    return {"e": e, "i": i, "fea_hull": fea_hull, "edge_index_hull": edge_index_hull,
            "W_lin_hull": W_lin_hull, "W_mlp0": W_mlp0, "b_mlp0": b_mlp0,
            "W_mlp1": W_mlp1, "b_mlp1": b_mlp1, "W_lin1h": W_lin1h, "b_lin1h": b_lin1h,
            "W_lin2h": W_lin2h, "b_lin2h": b_lin2h, "W_cat": W_cat, "b_cat": b_cat,
            "W_up": W_up, "b_up": b_up, "W_l0": W_l0, "b_l0": b_l0,
            "W_l1": W_l1, "b_l1": b_l1, "W_out": W_out}


def reference(e, i, fea_hull, edge_index_hull, W_lin_hull, W_mlp0, b_mlp0, W_mlp1, b_mlp1,
              W_lin1h, b_lin1h, W_lin2h, b_lin2h, W_cat, b_cat, W_up, b_up,
              W_l0, b_l0, W_l1, b_l1, W_out):
    act = jax.nn.silu
    _, e2 = e
    # v = scatter(e2, i, dim=0) -> segment sum over destination nodes
    v = jax.ops.segment_sum(e2, i, num_segments=N)
    j_, i_ = edge_index_hull[0], edge_index_hull[1]
    v_hull = v @ W_lin_hull
    W_h = act(fea_hull @ W_mlp0 + b_mlp0)
    W_h = W_h @ W_mlp1 + b_mlp1
    e_hull = jnp.take(v_hull, j_, axis=0) * W_h
    out_hull = jax.ops.segment_sum(e_hull, i_, num_segments=N)
    out_hull = act(out_hull @ W_lin1h + b_lin1h)
    out_hull = out_hull @ W_lin2h + b_lin2h
    v = act(jnp.concatenate([v, out_hull], axis=1) @ W_cat + b_cat)
    v = v @ W_up + b_up
    v = act(v @ W_l0 + b_l0)
    v = act(v @ W_l1 + b_l1)
    v = v @ W_out
    return v

if __name__ == "__main__":
    import jax
    _d = setup_inputs()
    print(jax.jit(kernel)(*tuple(_d.values())))

</pallas_src>

<mosaic_0001>
#map = affine_map<(d0, d1) -> (0, 0)>
#map1 = affine_map<(d0, d1) -> (0, 0, 0)>
module attributes {stable_mosaic.version = 14 : i64} {
  func.func @_sc_gather_mul_segsum(%arg0: i32, %arg1: i32, %arg2: memref<320000x128xf32, #tpu.memory_space<hbm>>, %arg3: memref<3200x100xi32, #tpu.memory_space<hbm>>, %arg4: memref<3200x100xi32, #tpu.memory_space<hbm>>, %arg5: memref<10000x128xf32, #tpu.memory_space<hbm>>, %arg6: memref<2x10000x128xf32, #tpu.memory_space<hbm>>, %arg7: memref<100x128xf32, #tpu.memory_space<vmem>>, %arg8: memref<100x128xf32, #tpu.memory_space<vmem>>, %arg9: memref<100x128xf32, #tpu.memory_space<vmem>>, %arg10: memref<100xi32, #tpu.memory_space<vmem>>, %arg11: memref<100xi32, #tpu.memory_space<vmem>>, %arg12: memref<100xi32, #tpu.memory_space<vmem>>, %arg13: memref<100xi32, #tpu.memory_space<vmem>>, %arg14: memref<10000x128xf32, #tpu.memory_space<vmem_shared>>, %arg15: memref<!tpu.dma_semaphore, #tpu.memory_space<semaphore_mem>>, %arg16: memref<!tpu.dma_semaphore, #tpu.memory_space<semaphore_mem>>, %arg17: memref<!tpu.dma_semaphore, #tpu.memory_space<semaphore_mem>>, %arg18: memref<!tpu.dma_semaphore, #tpu.memory_space<semaphore_mem>>, %arg19: memref<!tpu.dma_semaphore, #tpu.memory_space<semaphore_mem>>) attributes {dimension_semantics = [#tpu.dimension_semantics<core_parallel>, #tpu.dimension_semantics<subcore_parallel>], iteration_bounds = array<i64: 2, 16>, scalar_prefetch = 0 : i64, scratch_operands = 13 : i64, tpu.core_type = #tpu.core_type<sc_vector_subcore>, window_params = [{transform_indices = #map}, {transform_indices = #map}, {transform_indices = #map}, {transform_indices = #map}, {transform_indices = #map1}]} {
    %broadcast_in_dim3A = arith.constant 0.000000e+00 : f32
    %broadcast_in_dim3A_0 = vector.broadcast %broadcast_in_dim3A : f32 to vector<16xf32>
    %scan3A = arith.constant 0 : i32
    %scan3A_1 = arith.constant 0 : i32
    %scan3A_2 = arith.constant 100 : i32
    %scan3A_3 = arith.addi %scan3A_1, %scan3A_2 : i32
    %scan3A_4 = arith.constant 1 : i32
    %scan3A_5 = scf.for %scan3A_93 = %scan3A_1 to %scan3A_3 step %scan3A_4 iter_args(%scan3A_94 = %scan3A) -> (i32)  : i32 {
      %swap3A = arith.index_cast %scan3A_93 : i32 to index
      %swap3A_95 = arith.constant 0 : index
      %swap3A_96 = tpu.vector_load %arg7[%swap3A, %swap3A_95] {strides = array<i32>} : memref<100x128xf32, #tpu.memory_space<vmem>>, vector<1x16xf32>,
      %swap3A_97 = vector.shape_cast %swap3A_96 : vector<1x16xf32> to vector<16xf32>
      %swap3A_98 = vector.shape_cast %broadcast_in_dim3A_0 : vector<16xf32> to vector<1x16xf32>
      tpu.vector_store %arg7[%swap3A, %swap3A_95], %swap3A_98 {strides = array<i32>} : memref<100x128xf32, #tpu.memory_space<vmem>>, vector<1x16xf32>,
      %swap3A_99 = arith.index_cast %scan3A_93 : i32 to index
      %swap3A_100 = arith.constant 16 : index
      %swap3A_101 = tpu.vector_load %arg7[%swap3A_99, %swap3A_100] {strides = array<i32>} : memref<100x128xf32, #tpu.memory_space<vmem>>, vector<1x16xf32>,
      %swap3A_102 = vector.shape_cast %swap3A_101 : vector<1x16xf32> to vector<16xf32>
      %swap3A_103 = vector.shape_cast %broadcast_in_dim3A_0 : vector<16xf32> to vector<1x16xf32>
      tpu.vector_store %arg7[%swap3A_99, %swap3A_100], %swap3A_103 {strides = array<i32>} : memref<100x128xf32, #tpu.memory_space<vmem>>, vector<1x16xf32>,
      %swap3A_104 = arith.index_cast %scan3A_93 : i32 to index
      %swap3A_105 = arith.constant 32 : index
      %swap3A_106 = tpu.vector_load %arg7[%swap3A_104, %swap3A_105] {strides = array<i32>} : memref<100x128xf32, #tpu.memory_space<vmem>>, vector<1x16xf32>,
      %swap3A_107 = vector.shape_cast %swap3A_106 : vector<1x16xf32> to vector<16xf32>
      %swap3A_108 = vector.shape_cast %broadcast_in_dim3A_0 : vector<16xf32> to vector<1x16xf32>
      tpu.vector_store %arg7[%swap3A_104, %swap3A_105], %swap3A_108 {strides = array<i32>} : memref<100x128xf32, #tpu.memory_space<vmem>>, vector<1x16xf32>,
      %swap3A_109 = arith.index_cast %scan3A_93 : i32 to index
      %swap3A_110 = arith.constant 48 : index
      %swap3A_111 = tpu.vector_load %arg7[%swap3A_109, %swap3A_110] {strides = array<i32>} : memref<100x128xf32, #tpu.memory_space<vmem>>, vector<1x16xf32>,
      %swap3A_112 = vector.shape_cast %swap3A_111 : vector<1x16xf32> to vector<16xf32>
      %swap3A_113 = vector.shape_cast %broadcast_in_dim3A_0 : vector<16xf32> to vector<1x16xf32>
      tpu.vector_store %arg7[%swap3A_109, %swap3A_110], %swap3A_113 {strides = array<i32>} : memref<100x128xf32, #tpu.memory_space<vmem>>, vector<1x16xf32>,
      %swap3A_114 = arith.index_cast %scan3A_93 : i32 to index
      %swap3A_115 = arith.constant 64 : index
      %swap3A_116 = tpu.vector_load %arg7[%swap3A_114, %swap3A_115] {strides = array<i32>} : memref<100x128xf32, #tpu.memory_space<vmem>>, vector<1x16xf32>,
      %swap3A_117 = vector.shape_cast %swap3A_116 : vector<1x16xf32> to vector<16xf32>
      %swap3A_118 = vector.shape_cast %broadcast_in_dim3A_0 : vector<16xf32> to vector<1x16xf32>
      tpu.vector_store %arg7[%swap3A_114, %swap3A_115], %swap3A_118 {strides = array<i32>} : memref<100x128xf32, #tpu.memory_space<vmem>>, vector<1x16xf32>,
      %swap3A_119 = arith.index_cast %scan3A_93 : i32 to index
      %swap3A_120 = arith.constant 80 : index
      %swap3A_121 = tpu.vector_load %arg7[%swap3A_119, %swap3A_120] {strides = array<i32>} : memref<100x128xf32, #tpu.memory_space<vmem>>, vector<1x16xf32>,
      %swap3A_122 = vector.shape_cast %swap3A_121 : vector<1x16xf32> to vector<16xf32>
      %swap3A_123 = vector.shape_cast %broadcast_in_dim3A_0 : vector<16xf32> to vector<1x16xf32>
      tpu.vector_store %arg7[%swap3A_119, %swap3A_120], %swap3A_123 {strides = array<i32>} : memref<100x128xf32, #tpu.memory_space<vmem>>, vector<1x16xf32>,
      %swap3A_124 = arith.index_cast %scan3A_93 : i32 to index
      %swap3A_125 = arith.constant 96 : index
      %swap3A_126 = tpu.vector_load %arg7[%swap3A_124, %swap3A_125] {strides = array<i32>} : memref<100x128xf32, #tpu.memory_space<vmem>>, vector<1x16xf32>,
      %swap3A_127 = vector.shape_cast %swap3A_126 : vector<1x16xf32> to vector<16xf32>
      %swap3A_128 = vector.shape_cast %broadcast_in_dim3A_0 : vector<16xf32> to vector<1x16xf32>
      tpu.vector_store %arg7[%swap3A_124, %swap3A_125], %swap3A_128 {strides = array<i32>} : memref<100x128xf32, #tpu.memory_space<vmem>>, vector<1x16xf32>,
      %swap3A_129 = arith.index_cast %scan3A_93 : i32 to index
      %swap3A_130 = arith.constant 112 : index
      %swap3A_131 = tpu.vector_load %arg7[%swap3A_129, %swap3A_130] {strides = array<i32>} : memref<100x128xf32, #tpu.memory_space<vmem>>, vector<1x16xf32>,
      %swap3A_132 = vector.shape_cast %swap3A_131 : vector<1x16xf32> to vector<16xf32>
      %swap3A_133 = vector.shape_cast %broadcast_in_dim3A_0 : vector<16xf32> to vector<1x16xf32>
      tpu.vector_store %arg7[%swap3A_129, %swap3A_130], %swap3A_133 {strides = array<i32>} : memref<100x128xf32, #tpu.memory_space<vmem>>, vector<1x16xf32>,
      %scan3A_134 = arith.constant 0 : i32
      scf.yield %scan3A_134 : i32
    }
    %scan3A_6 = arith.constant 100 : i32
    %mul3A = arith.constant 625 : i32
    %mul3A_7 = arith.muli %arg1, %mul3A : i32
    %add3A = arith.constant 0 : i32
    %add3A_8 = arith.addi %mul3A_7, %add3A : i32
    "tpu.region"() ({
      %run_scoped3A = tpu.sem_alloc : memref<!tpu.dma_semaphore, #tpu.memory_space<semaphore_mem>>
      %dma_start3A_93 = arith.constant 0 : i32
      %dma_start3A_94 = tpu.memref_slice %arg14[%add3A_8, %dma_start3A_93] : memref<10000x128xf32, #tpu.memory_space<vmem_shared>> -> memref<100x128xf32, #tpu.memory_space<vmem_shared>>
      %dma_start3A_95 = arith.constant 0 : i32
      %dma_start3A_96 = tpu.memref_slice %arg14[%add3A_8, %dma_start3A_95] : memref<10000x128xf32, #tpu.memory_space<vmem_shared>> -> memref<100x128xf32, #tpu.memory_space<vmem_shared>>
      tpu.enqueue_dma source(%arg7 : memref<100x128xf32, #tpu.memory_space<vmem>>) target(%dma_start3A_96 : memref<100x128xf32, #tpu.memory_space<vmem_shared>>) target_semaphore(%run_scoped3A : memref<!tpu.dma_semaphore, #tpu.memory_space<semaphore_mem>>)
      %dma_wait3A_97 = arith.constant 0 : i32
      %dma_wait3A_98 = tpu.memref_slice %arg14[%add3A_8, %dma_wait3A_97] : memref<10000x128xf32, #tpu.memory_space<vmem_shared>> -> memref<100x128xf32, #tpu.memory_space<vmem_shared>>
      %dma_wait3A_99 = arith.constant 0 : i32
      %dma_wait3A_100 = tpu.memref_slice %arg14[%add3A_8, %dma_wait3A_99] : memref<10000x128xf32, #tpu.memory_space<vmem_shared>> -> memref<100x128xf32, #tpu.memory_space<vmem_shared>>
      tpu.wait_dma2 semaphore(%run_scoped3A : memref<!tpu.dma_semaphore, #tpu.memory_space<semaphore_mem>>) src(%arg7 : memref<100x128xf32, #tpu.memory_space<vmem>>) dst(%dma_wait3A_100 : memref<100x128xf32, #tpu.memory_space<vmem_shared>>)
      tpu.yield
    }) : () -> ()
    %mul3A_9 = arith.constant 625 : i32
    %mul3A_10 = arith.muli %arg1, %mul3A_9 : i32
    %add3A_11 = arith.constant 100 : i32
    %add3A_12 = arith.addi %mul3A_10, %add3A_11 : i32
    "tpu.region"() ({
      %run_scoped3A = tpu.sem_alloc : memref<!tpu.dma_semaphore, #tpu.memory_space<semaphore_mem>>
      %dma_start3A_93 = arith.constant 0 : i32
      %dma_start3A_94 = tpu.memref_slice %arg14[%add3A_12, %dma_start3A_93] : memref<10000x128xf32, #tpu.memory_space<vmem_shared>> -> memref<100x128xf32, #tpu.memory_space<vmem_shared>>
      %dma_start3A_95 = arith.constant 0 : i32
      %dma_start3A_96 = tpu.memref_slice %arg14[%add3A_12, %dma_start3A_95] : memref<10000x128xf32, #tpu.memory_space<vmem_shared>> -> memref<100x128xf32, #tpu.memory_space<vmem_shared>>
      tpu.enqueue_dma source(%arg7 : memref<100x128xf32, #tpu.memory_space<vmem>>) target(%dma_start3A_96 : memref<100x128xf32, #tpu.memory_space<vmem_shared>>) target_semaphore(%run_scoped3A : memref<!tpu.dma_semaphore, #tpu.memory_space<semaphore_mem>>)
      %dma_wait3A_97 = arith.constant 0 : i32
      %dma_wait3A_98 = tpu.memref_slice %arg14[%add3A_12, %dma_wait3A_97] : memref<10000x128xf32, #tpu.memory_space<vmem_shared>> -> memref<100x128xf32, #tpu.memory_space<vmem_shared>>
      %dma_wait3A_99 = arith.constant 0 : i32
      %dma_wait3A_100 = tpu.memref_slice %arg14[%add3A_12, %dma_wait3A_99] : memref<10000x128xf32, #tpu.memory_space<vmem_shared>> -> memref<100x128xf32, #tpu.memory_space<vmem_shared>>
      tpu.wait_dma2 semaphore(%run_scoped3A : memref<!tpu.dma_semaphore, #tpu.memory_space<semaphore_mem>>) src(%arg7 : memref<100x128xf32, #tpu.memory_space<vmem>>) dst(%dma_wait3A_100 : memref<100x128xf32, #tpu.memory_space<vmem_shared>>)
      tpu.yield
    }) : () -> ()
    %mul3A_13 = arith.constant 625 : i32
    %mul3A_14 = arith.muli %arg1, %mul3A_13 : i32
    %add3A_15 = arith.constant 200 : i32
    %add3A_16 = arith.addi %mul3A_14, %add3A_15 : i32
    "tpu.region"() ({
      %run_scoped3A = tpu.sem_alloc : memref<!tpu.dma_semaphore, #tpu.memory_space<semaphore_mem>>
      %dma_start3A_93 = arith.constant 0 : i32
      %dma_start3A_94 = tpu.memref_slice %arg14[%add3A_16, %dma_start3A_93] : memref<10000x128xf32, #tpu.memory_space<vmem_shared>> -> memref<100x128xf32, #tpu.memory_space<vmem_shared>>
      %dma_start3A_95 = arith.constant 0 : i32
      %dma_start3A_96 = tpu.memref_slice %arg14[%add3A_16, %dma_start3A_95] : memref<10000x128xf32, #tpu.memory_space<vmem_shared>> -> memref<100x128xf32, #tpu.memory_space<vmem_shared>>
      tpu.enqueue_dma source(%arg7 : memref<100x128xf32, #tpu.memory_space<vmem>>) target(%dma_start3A_96 : memref<100x128xf32, #tpu.memory_space<vmem_shared>>) target_semaphore(%run_scoped3A : memref<!tpu.dma_semaphore, #tpu.memory_space<semaphore_mem>>)
      %dma_wait3A_97 = arith.constant 0 : i32
      %dma_wait3A_98 = tpu.memref_slice %arg14[%add3A_16, %dma_wait3A_97] : memref<10000x128xf32, #tpu.memory_space<vmem_shared>> -> memref<100x128xf32, #tpu.memory_space<vmem_shared>>
      %dma_wait3A_99 = arith.constant 0 : i32
      %dma_wait3A_100 = tpu.memref_slice %arg14[%add3A_16, %dma_wait3A_99] : memref<10000x128xf32, #tpu.memory_space<vmem_shared>> -> memref<100x128xf32, #tpu.memory_space<vmem_shared>>
      tpu.wait_dma2 semaphore(%run_scoped3A : memref<!tpu.dma_semaphore, #tpu.memory_space<semaphore_mem>>) src(%arg7 : memref<100x128xf32, #tpu.memory_space<vmem>>) dst(%dma_wait3A_100 : memref<100x128xf32, #tpu.memory_space<vmem_shared>>)
      tpu.yield
    }) : () -> ()
    %mul3A_17 = arith.constant 625 : i32
    %mul3A_18 = arith.muli %arg1, %mul3A_17 : i32
    %add3A_19 = arith.constant 300 : i32
    %add3A_20 = arith.addi %mul3A_18, %add3A_19 : i32
    "tpu.region"() ({
      %run_scoped3A = tpu.sem_alloc : memref<!tpu.dma_semaphore, #tpu.memory_space<semaphore_mem>>
      %dma_start3A_93 = arith.constant 0 : i32
      %dma_start3A_94 = tpu.memref_slice %arg14[%add3A_20, %dma_start3A_93] : memref<10000x128xf32, #tpu.memory_space<vmem_shared>> -> memref<100x128xf32, #tpu.memory_space<vmem_shared>>
      %dma_start3A_95 = arith.constant 0 : i32
      %dma_start3A_96 = tpu.memref_slice %arg14[%add3A_20, %dma_start3A_95] : memref<10000x128xf32, #tpu.memory_space<vmem_shared>> -> memref<100x128xf32, #tpu.memory_space<vmem_shared>>
      tpu.enqueue_dma source(%arg7 : memref<100x128xf32, #tpu.memory_space<vmem>>) target(%dma_start3A_96 : memref<100x128xf32, #tpu.memory_space<vmem_shared>>) target_semaphore(%run_scoped3A : memref<!tpu.dma_semaphore, #tpu.memory_space<semaphore_mem>>)
      %dma_wait3A_97 = arith.constant 0 : i32
      %dma_wait3A_98 = tpu.memref_slice %arg14[%add3A_20, %dma_wait3A_97] : memref<10000x128xf32, #tpu.memory_space<vmem_shared>> -> memref<100x128xf32, #tpu.memory_space<vmem_shared>>
      %dma_wait3A_99 = arith.constant 0 : i32
      %dma_wait3A_100 = tpu.memref_slice %arg14[%add3A_20, %dma_wait3A_99] : memref<10000x128xf32, #tpu.memory_space<vmem_shared>> -> memref<100x128xf32, #tpu.memory_space<vmem_shared>>
      tpu.wait_dma2 semaphore(%run_scoped3A : memref<!tpu.dma_semaphore, #tpu.memory_space<semaphore_mem>>) src(%arg7 : memref<100x128xf32, #tpu.memory_space<vmem>>) dst(%dma_wait3A_100 : memref<100x128xf32, #tpu.memory_space<vmem_shared>>)
      tpu.yield
    }) : () -> ()
    %mul3A_21 = arith.constant 625 : i32
    %mul3A_22 = arith.muli %arg1, %mul3A_21 : i32
    %add3A_23 = arith.constant 400 : i32
    %add3A_24 = arith.addi %mul3A_22, %add3A_23 : i32
    "tpu.region"() ({
      %run_scoped3A = tpu.sem_alloc : memref<!tpu.dma_semaphore, #tpu.memory_space<semaphore_mem>>
      %dma_start3A_93 = arith.constant 0 : i32
      %dma_start3A_94 = tpu.memref_slice %arg14[%add3A_24, %dma_start3A_93] : memref<10000x128xf32, #tpu.memory_space<vmem_shared>> -> memref<100x128xf32, #tpu.memory_space<vmem_shared>>
      %dma_start3A_95 = arith.constant 0 : i32
      %dma_start3A_96 = tpu.memref_slice %arg14[%add3A_24, %dma_start3A_95] : memref<10000x128xf32, #tpu.memory_space<vmem_shared>> -> memref<100x128xf32, #tpu.memory_space<vmem_shared>>
      tpu.enqueue_dma source(%arg7 : memref<100x128xf32, #tpu.memory_space<vmem>>) target(%dma_start3A_96 : memref<100x128xf32, #tpu.memory_space<vmem_shared>>) target_semaphore(%run_scoped3A : memref<!tpu.dma_semaphore, #tpu.memory_space<semaphore_mem>>)
      %dma_wait3A_97 = arith.constant 0 : i32
      %dma_wait3A_98 = tpu.memref_slice %arg14[%add3A_24, %dma_wait3A_97] : memref<10000x128xf32, #tpu.memory_space<vmem_shared>> -> memref<100x128xf32, #tpu.memory_space<vmem_shared>>
      %dma_wait3A_99 = arith.constant 0 : i32
      %dma_wait3A_100 = tpu.memref_slice %arg14[%add3A_24, %dma_wait3A_99] : memref<10000x128xf32, #tpu.memory_space<vmem_shared>> -> memref<100x128xf32, #tpu.memory_space<vmem_shared>>
      tpu.wait_dma2 semaphore(%run_scoped3A : memref<!tpu.dma_semaphore, #tpu.memory_space<semaphore_mem>>) src(%arg7 : memref<100x128xf32, #tpu.memory_space<vmem>>) dst(%dma_wait3A_100 : memref<100x128xf32, #tpu.memory_space<vmem_shared>>)
      tpu.yield
    }) : () -> ()
    %mul3A_25 = arith.constant 625 : i32
    %mul3A_26 = arith.muli %arg1, %mul3A_25 : i32
    %add3A_27 = arith.constant 500 : i32
    %add3A_28 = arith.addi %mul3A_26, %add3A_27 : i32
    "tpu.region"() ({
      %run_scoped3A = tpu.sem_alloc : memref<!tpu.dma_semaphore, #tpu.memory_space<semaphore_mem>>
      %dma_start3A_93 = arith.constant 0 : i32
      %dma_start3A_94 = tpu.memref_slice %arg14[%add3A_28, %dma_start3A_93] : memref<10000x128xf32, #tpu.memory_space<vmem_shared>> -> memref<100x128xf32, #tpu.memory_space<vmem_shared>>
      %dma_start3A_95 = arith.constant 0 : i32
      %dma_start3A_96 = tpu.memref_slice %arg14[%add3A_28, %dma_start3A_95] : memref<10000x128xf32, #tpu.memory_space<vmem_shared>> -> memref<100x128xf32, #tpu.memory_space<vmem_shared>>
      tpu.enqueue_dma source(%arg7 : memref<100x128xf32, #tpu.memory_space<vmem>>) target(%dma_start3A_96 : memref<100x128xf32, #tpu.memory_space<vmem_shared>>) target_semaphore(%run_scoped3A : memref<!tpu.dma_semaphore, #tpu.memory_space<semaphore_mem>>)
      %dma_wait3A_97 = arith.constant 0 : i32
      %dma_wait3A_98 = tpu.memref_slice %arg14[%add3A_28, %dma_wait3A_97] : memref<10000x128xf32, #tpu.memory_space<vmem_shared>> -> memref<100x128xf32, #tpu.memory_space<vmem_shared>>
      %dma_wait3A_99 = arith.constant 0 : i32
      %dma_wait3A_100 = tpu.memref_slice %arg14[%add3A_28, %dma_wait3A_99] : memref<10000x128xf32, #tpu.memory_space<vmem_shared>> -> memref<100x128xf32, #tpu.memory_space<vmem_shared>>
      tpu.wait_dma2 semaphore(%run_scoped3A : memref<!tpu.dma_semaphore, #tpu.memory_space<semaphore_mem>>) src(%arg7 : memref<100x128xf32, #tpu.memory_space<vmem>>) dst(%dma_wait3A_100 : memref<100x128xf32, #tpu.memory_space<vmem_shared>>)
      tpu.yield
    }) : () -> ()
    %mul3A_29 = arith.constant 625 : i32
    %mul3A_30 = arith.muli %arg1, %mul3A_29 : i32
    %add3A_31 = arith.constant 600 : i32
    %add3A_32 = arith.addi %mul3A_30, %add3A_31 : i32
    "tpu.region"() ({
      %run_scoped3A = tpu.sem_alloc : memref<!tpu.dma_semaphore, #tpu.memory_space<semaphore_mem>>
      %dma_start3A_93 = arith.constant 0 : i32
      %dma_start3A_94 = arith.constant 0 : i32
      %dma_start3A_95 = tpu.memref_slice %arg7[%dma_start3A_93, %dma_start3A_94] : memref<100x128xf32, #tpu.memory_space<vmem>> -> memref<25x128xf32, #tpu.memory_space<vmem>>
      %dma_start3A_96 = arith.constant 0 : i32
      %dma_start3A_97 = tpu.memref_slice %arg14[%add3A_32, %dma_start3A_96] : memref<10000x128xf32, #tpu.memory_space<vmem_shared>> -> memref<25x128xf32, #tpu.memory_space<vmem_shared>>
      %dma_start3A_98 = arith.constant 0 : i32
      %dma_start3A_99 = tpu.memref_slice %arg14[%add3A_32, %dma_start3A_98] : memref<10000x128xf32, #tpu.memory_space<vmem_shared>> -> memref<25x128xf32, #tpu.memory_space<vmem_shared>>
      %dma_start3A_100 = arith.constant 0 : i32
      %dma_start3A_101 = arith.constant 0 : i32
      %dma_start3A_102 = tpu.memref_slice %arg7[%dma_start3A_100, %dma_start3A_101] : memref<100x128xf32, #tpu.memory_space<vmem>> -> memref<25x128xf32, #tpu.memory_space<vmem>>
      tpu.enqueue_dma source(%dma_start3A_102 : memref<25x128xf32, #tpu.memory_space<vmem>>) target(%dma_start3A_99 : memref<25x128xf32, #tpu.memory_space<vmem_shared>>) target_semaphore(%run_scoped3A : memref<!tpu.dma_semaphore, #tpu.memory_space<semaphore_mem>>)
      %dma_wait3A_103 = arith.constant 0 : i32
      %dma_wait3A_104 = arith.constant 0 : i32
      %dma_wait3A_105 = tpu.memref_slice %arg7[%dma_wait3A_103, %dma_wait3A_104] : memref<100x128xf32, #tpu.memory_space<vmem>> -> memref<25x128xf32, #tpu.memory_space<vmem>>
      %dma_wait3A_106 = arith.constant 0 : i32
      %dma_wait3A_107 = tpu.memref_slice %arg14[%add3A_32, %dma_wait3A_106] : memref<10000x128xf32, #tpu.memory_space<vmem_shared>> -> memref<25x128xf32, #tpu.memory_space<vmem_shared>>
      %dma_wait3A_108 = arith.constant 0 : i32
      %dma_wait3A_109 = tpu.memref_slice %arg14[%add3A_32, %dma_wait3A_108] : memref<10000x128xf32, #tpu.memory_space<vmem_shared>> -> memref<25x128xf32, #tpu.memory_space<vmem_shared>>
      %dma_wait3A_110 = arith.constant 0 : i32
      %dma_wait3A_111 = arith.constant 0 : i32
      %dma_wait3A_112 = tpu.memref_slice %arg7[%dma_wait3A_110, %dma_wait3A_111] : memref<100x128xf32, #tpu.memory_space<vmem>> -> memref<25x128xf32, #tpu.memory_space<vmem>>
      tpu.wait_dma2 semaphore(%run_scoped3A : memref<!tpu.dma_semaphore, #tpu.memory_space<semaphore_mem>>) src(%dma_wait3A_112 : memref<25x128xf32, #tpu.memory_space<vmem>>) dst(%dma_wait3A_109 : memref<25x128xf32, #tpu.memory_space<vmem_shared>>)
      tpu.yield
    }) : () -> ()
    %barrier3A = arith.constant 0 : index
    tpu.barrier barrier_id(%barrier3A)
    %mul3A_33 = arith.constant 16 : i32
    %mul3A_34 = arith.muli %arg0, %mul3A_33 : i32
    %add3A_35 = arith.addi %mul3A_34, %arg1 : i32
    %mul3A_36 = arith.constant 100 : i32
    %mul3A_37 = arith.muli %add3A_35, %mul3A_36 : i32
    %dma_start3A = arith.constant 0 : i32
    %dma_start3A_38 = tpu.memref_slice %arg3[%mul3A_37, %dma_start3A] : memref<3200x100xi32, #tpu.memory_space<hbm>> -> memref<1x100xi32, #tpu.memory_space<hbm>>
    %dma_start3A_39 = tpu.memref_squeeze %dma_start3A_38 : memref<1x100xi32, #tpu.memory_space<hbm>> -> memref<100xi32, #tpu.memory_space<hbm>>
    %dma_start3A_40 = arith.constant 0 : i32
    %dma_start3A_41 = tpu.memref_slice %arg3[%mul3A_37, %dma_start3A_40] : memref<3200x100xi32, #tpu.memory_space<hbm>> -> memref<1x100xi32, #tpu.memory_space<hbm>>
    %dma_start3A_42 = tpu.memref_squeeze %dma_start3A_41 : memref<1x100xi32, #tpu.memory_space<hbm>> -> memref<100xi32, #tpu.memory_space<hbm>>
    tpu.enqueue_dma source(%dma_start3A_42 : memref<100xi32, #tpu.memory_space<hbm>>) target(%arg10 : memref<100xi32, #tpu.memory_space<vmem>>) target_semaphore(%arg16 : memref<!tpu.dma_semaphore, #tpu.memory_space<semaphore_mem>>)
    %dma_start3A_43 = arith.constant 0 : i32
    %dma_start3A_44 = tpu.memref_slice %arg4[%mul3A_37, %dma_start3A_43] : memref<3200x100xi32, #tpu.memory_space<hbm>> -> memref<1x100xi32, #tpu.memory_space<hbm>>
    %dma_start3A_45 = tpu.memref_squeeze %dma_start3A_44 : memref<1x100xi32, #tpu.memory_space<hbm>> -> memref<100xi32, #tpu.memory_space<hbm>>
    %dma_start3A_46 = arith.constant 0 : i32
    %dma_start3A_47 = tpu.memref_slice %arg4[%mul3A_37, %dma_start3A_46] : memref<3200x100xi32, #tpu.memory_space<hbm>> -> memref<1x100xi32, #tpu.memory_space<hbm>>
    %dma_start3A_48 = tpu.memref_squeeze %dma_start3A_47 : memref<1x100xi32, #tpu.memory_space<hbm>> -> memref<100xi32, #tpu.memory_space<hbm>>
    tpu.enqueue_dma source(%dma_start3A_48 : memref<100xi32, #tpu.memory_space<hbm>>) target(%arg12 : memref<100xi32, #tpu.memory_space<vmem>>) target_semaphore(%arg16 : memref<!tpu.dma_semaphore, #tpu.memory_space<semaphore_mem>>)
    %dma_wait3A = arith.constant 0 : i32
    %dma_wait3A_49 = tpu.memref_slice %arg3[%mul3A_37, %dma_wait3A] : memref<3200x100xi32, #tpu.memory_space<hbm>> -> memref<1x100xi32, #tpu.memory_space<hbm>>
    %dma_wait3A_50 = tpu.memref_squeeze %dma_wait3A_49 : memref<1x100xi32, #tpu.memory_space<hbm>> -> memref<100xi32, #tpu.memory_space<hbm>>
    %dma_wait3A_51 = arith.constant 0 : i32
    %dma_wait3A_52 = tpu.memref_slice %arg3[%mul3A_37, %dma_wait3A_51] : memref<3200x100xi32, #tpu.memory_space<hbm>> -> memref<1x100xi32, #tpu.memory_space<hbm>>
    %dma_wait3A_53 = tpu.memref_squeeze %dma_wait3A_52 : memref<1x100xi32, #tpu.memory_space<hbm>> -> memref<100xi32, #tpu.memory_space<hbm>>
    tpu.wait_dma2 semaphore(%arg16 : memref<!tpu.dma_semaphore, #tpu.memory_space<semaphore_mem>>) src(%dma_wait3A_53 : memref<100xi32, #tpu.memory_space<hbm>>) dst(%arg10 : memref<100xi32, #tpu.memory_space<vmem>>)
    %dma_wait3A_54 = arith.constant 0 : i32
    %dma_wait3A_55 = tpu.memref_slice %arg4[%mul3A_37, %dma_wait3A_54] : memref<3200x100xi32, #tpu.memory_space<hbm>> -> memref<1x100xi32, #tpu.memory_space<hbm>>
    %dma_wait3A_56 = tpu.memref_squeeze %dma_wait3A_55 : memref<1x100xi32, #tpu.memory_space<hbm>> -> memref<100xi32, #tpu.memory_space<hbm>>
    %dma_wait3A_57 = arith.constant 0 : i32
    %dma_wait3A_58 = tpu.memref_slice %arg4[%mul3A_37, %dma_wait3A_57] : memref<3200x100xi32, #tpu.memory_space<hbm>> -> memref<1x100xi32, #tpu.memory_space<hbm>>
    %dma_wait3A_59 = tpu.memref_squeeze %dma_wait3A_58 : memref<1x100xi32, #tpu.memory_space<hbm>> -> memref<100xi32, #tpu.memory_space<hbm>>
    tpu.wait_dma2 semaphore(%arg16 : memref<!tpu.dma_semaphore, #tpu.memory_space<semaphore_mem>>) src(%dma_wait3A_59 : memref<100xi32, #tpu.memory_space<hbm>>) dst(%arg12 : memref<100xi32, #tpu.memory_space<vmem>>)
    %dma_start3A_60 = arith.constant 0 : i32
    %dma_start3A_61 = arith.constant 0 : i32
    %dma_start3A_62 = tpu.memref_slice %arg5[%dma_start3A_60, %dma_start3A_61] : memref<10000x128xf32, #tpu.memory_space<hbm>> -> memref<10000x128xf32, #tpu.memory_space<hbm>>
    tpu.enqueue_indirect_dma source(%dma_start3A_62 : memref<10000x128xf32, #tpu.memory_space<hbm>>) target(%arg8 : memref<100x128xf32, #tpu.memory_space<vmem>>) offsets(%arg10 : memref<100xi32, #tpu.memory_space<vmem>>) semaphore(%arg18 : memref<!tpu.dma_semaphore, #tpu.memory_space<semaphore_mem>>)
    %add3A_63 = arith.constant 1 : i32
    %add3A_64 = arith.addi %mul3A_37, %add3A_63 : i32
    %dma_start3A_65 = arith.constant 0 : i32
    %dma_start3A_66 = tpu.memref_slice %arg3[%add3A_64, %dma_start3A_65] : memref<3200x100xi32, #tpu.memory_space<hbm>> -> memref<1x100xi32, #tpu.memory_space<hbm>>
    %dma_start3A_67 = tpu.memref_squeeze %dma_start3A_66 : memref<1x100xi32, #tpu.memory_space<hbm>> -> memref<100xi32, #tpu.memory_space<hbm>>
    %dma_start3A_68 = arith.constant 0 : i32
    %dma_start3A_69 = tpu.memref_slice %arg3[%add3A_64, %dma_start3A_68] : memref<3200x100xi32, #tpu.memory_space<hbm>> -> memref<1x100xi32, #tpu.memory_space<hbm>>
    %dma_start3A_70 = tpu.memref_squeeze %dma_start3A_69 : memref<1x100xi32, #tpu.memory_space<hbm>> -> memref<100xi32, #tpu.memory_space<hbm>>
    tpu.enqueue_dma source(%dma_start3A_70 : memref<100xi32, #tpu.memory_space<hbm>>) target(%arg11 : memref<100xi32, #tpu.memory_space<vmem>>) target_semaphore(%arg17 : memref<!tpu.dma_semaphore, #tpu.memory_space<semaphore_mem>>)
    %dma_start3A_71 = arith.constant 0 : i32
    %dma_start3A_72 = tpu.memref_slice %arg4[%add3A_64, %dma_start3A_71] : memref<3200x100xi32, #tpu.memory_space<hbm>> -> memref<1x100xi32, #tpu.memory_space<hbm>>
    %dma_start3A_73 = tpu.memref_squeeze %dma_start3A_72 : memref<1x100xi32, #tpu.memory_space<hbm>> -> memref<100xi32, #tpu.memory_space<hbm>>
    %dma_start3A_74 = arith.constant 0 : i32
    %dma_start3A_75 = tpu.memref_slice %arg4[%add3A_64, %dma_start3A_74] : memref<3200x100xi32, #tpu.memory_space<hbm>> -> memref<1x100xi32, #tpu.memory_space<hbm>>
    %dma_start3A_76 = tpu.memref_squeeze %dma_start3A_75 : memref<1x100xi32, #tpu.memory_space<hbm>> -> memref<100xi32, #tpu.memory_space<hbm>>
    tpu.enqueue_dma source(%dma_start3A_76 : memref<100xi32, #tpu.memory_space<hbm>>) target(%arg13 : memref<100xi32, #tpu.memory_space<vmem>>) target_semaphore(%arg17 : memref<!tpu.dma_semaphore, #tpu.memory_space<semaphore_mem>>)
    %mul3A_77 = arith.constant 100 : i32
    %mul3A_78 = arith.muli %mul3A_37, %mul3A_77 : i32
    %dma_start3A_79 = arith.constant 0 : i32
    %dma_start3A_80 = tpu.memref_slice %arg2[%mul3A_78, %dma_start3A_79] : memref<320000x128xf32, #tpu.memory_space<hbm>> -> memref<100x128xf32, #tpu.memory_space<hbm>>
    %dma_start3A_81 = arith.constant 0 : i32
    %dma_start3A_82 = tpu.memref_slice %arg2[%mul3A_78, %dma_start3A_81] : memref<320000x128xf32, #tpu.memory_space<hbm>> -> memref<100x128xf32, #tpu.memory_space<hbm>>
    tpu.enqueue_dma source(%dma_start3A_82 : memref<100x128xf32, #tpu.memory_space<hbm>>) target(%arg7 : memref<100x128xf32, #tpu.memory_space<vmem>>) target_semaphore(%arg15 : memref<!tpu.dma_semaphore, #tpu.memory_space<semaphore_mem>>)
    %scan3A_83 = arith.constant 0 : i32
    %scan3A_84 = arith.constant 0 : i32
    %scan3A_85 = arith.constant 50 : i32
    %scan3A_86 = arith.addi %scan3A_84, %scan3A_85 : i32
    %scan3A_87 = arith.constant 1 : i32
    %scan3A_88 = scf.for %scan3A_93 = %scan3A_84 to %scan3A_86 step %scan3A_87 iter_args(%scan3A_94 = %scan3A_83) -> (i32)  : i32 {
      %mul3A_95 = arith.constant 2 : i32
      %mul3A_96 = arith.muli %scan3A_93, %mul3A_95 : i32
      %add3A_97 = arith.addi %mul3A_37, %mul3A_96 : i32
      %add3A_98 = arith.constant 1 : i32
      %add3A_99 = arith.addi %mul3A_96, %add3A_98 : i32
      %lt3A = arith.constant 100 : i32
      %lt3A_100 = arith.cmpi slt, %add3A_99, %lt3A : i32
      %convert_element_type3A = arith.extui %lt3A_100 : i1 to i32
      %cond3A = arith.constant 0 : i32
      %cond3A_101 = arith.cmpi ne, %convert_element_type3A, %cond3A : i32
      scf.if %cond3A_101 {
        %add3A_189 = arith.constant 1 : i32
        %add3A_190 = arith.addi %add3A_97, %add3A_189 : i32
        %dma_wait3A_191 = arith.constant 0 : i32
        %dma_wait3A_192 = tpu.memref_slice %arg3[%add3A_190, %dma_wait3A_191] : memref<3200x100xi32, #tpu.memory_space<hbm>> -> memref<1x100xi32, #tpu.memory_space<hbm>>
        %dma_wait3A_193 = tpu.memref_squeeze %dma_wait3A_192 : memref<1x100xi32, #tpu.memory_space<hbm>> -> memref<100xi32, #tpu.memory_space<hbm>>
        %dma_wait3A_194 = arith.constant 0 : i32
        %dma_wait3A_195 = tpu.memref_slice %arg3[%add3A_190, %dma_wait3A_194] : memref<3200x100xi32, #tpu.memory_space<hbm>> -> memref<1x100xi32, #tpu.memory_space<hbm>>
        %dma_wait3A_196 = tpu.memref_squeeze %dma_wait3A_195 : memref<1x100xi32, #tpu.memory_space<hbm>> -> memref<100xi32, #tpu.memory_space<hbm>>
        tpu.wait_dma2 semaphore(%arg17 : memref<!tpu.dma_semaphore, #tpu.memory_space<semaphore_mem>>) src(%dma_wait3A_196 : memref<100xi32, #tpu.memory_space<hbm>>) dst(%arg11 : memref<100xi32, #tpu.memory_space<vmem>>)
        %dma_wait3A_197 = arith.constant 0 : i32
        %dma_wait3A_198 = tpu.memref_slice %arg4[%add3A_190, %dma_wait3A_197] : memref<3200x100xi32, #tpu.memory_space<hbm>> -> memref<1x100xi32, #tpu.memory_space<hbm>>
        %dma_wait3A_199 = tpu.memref_squeeze %dma_wait3A_198 : memref<1x100xi32, #tpu.memory_space<hbm>> -> memref<100xi32, #tpu.memory_space<hbm>>
        %dma_wait3A_200 = arith.constant 0 : i32
        %dma_wait3A_201 = tpu.memref_slice %arg4[%add3A_190, %dma_wait3A_200] : memref<3200x100xi32, #tpu.memory_space<hbm>> -> memref<1x100xi32, #tpu.memory_space<hbm>>
        %dma_wait3A_202 = tpu.memref_squeeze %dma_wait3A_201 : memref<1x100xi32, #tpu.memory_space<hbm>> -> memref<100xi32, #tpu.memory_space<hbm>>
        tpu.wait_dma2 semaphore(%arg17 : memref<!tpu.dma_semaphore, #tpu.memory_space<semaphore_mem>>) src(%dma_wait3A_202 : memref<100xi32, #tpu.memory_space<hbm>>) dst(%arg13 : memref<100xi32, #tpu.memory_space<vmem>>)
      } else {
      }
      %dma_wait3A_102 = arith.constant 0 : i32
      %dma_wait3A_103 = arith.constant 0 : i32
      %dma_wait3A_104 = tpu.memref_slice %arg5[%dma_wait3A_102, %dma_wait3A_103] : memref<10000x128xf32, #tpu.memory_space<hbm>> -> memref<10000x128xf32, #tpu.memory_space<hbm>>
      tpu.wait_indirect_dma semaphore(%arg18 : memref<!tpu.dma_semaphore, #tpu.memory_space<semaphore_mem>>) src(%dma_wait3A_104 : memref<10000x128xf32, #tpu.memory_space<hbm>>) dst(%arg8 : memref<100x128xf32, #tpu.memory_space<vmem>>)
      %mul3A_105 = arith.constant 100 : i32
      %mul3A_106 = arith.muli %add3A_97, %mul3A_105 : i32
      %dma_wait3A_107 = arith.constant 0 : i32
      %dma_wait3A_108 = tpu.memref_slice %arg2[%mul3A_106, %dma_wait3A_107] : memref<320000x128xf32, #tpu.memory_space<hbm>> -> memref<100x128xf32, #tpu.memory_space<hbm>>
      %dma_wait3A_109 = arith.constant 0 : i32
      %dma_wait3A_110 = tpu.memref_slice %arg2[%mul3A_106, %dma_wait3A_109] : memref<320000x128xf32, #tpu.memory_space<hbm>> -> memref<100x128xf32, #tpu.memory_space<hbm>>
      tpu.wait_dma2 semaphore(%arg15 : memref<!tpu.dma_semaphore, #tpu.memory_space<semaphore_mem>>) src(%dma_wait3A_110 : memref<100x128xf32, #tpu.memory_space<hbm>>) dst(%arg7 : memref<100x128xf32, #tpu.memory_space<vmem>>)
      %add3A_111 = arith.constant 1 : i32
      %add3A_112 = arith.addi %mul3A_96, %add3A_111 : i32
      %lt3A_113 = arith.constant 100 : i32
      %lt3A_114 = arith.cmpi slt, %add3A_112, %lt3A_113 : i32
      %convert_element_type3A_115 = arith.extui %lt3A_114 : i1 to i32
      %cond3A_116 = arith.constant 0 : i32
      %cond3A_117 = arith.cmpi ne, %convert_element_type3A_115, %cond3A_116 : i32
      scf.if %cond3A_117 {
        %dma_start3A_189 = arith.constant 0 : i32
        %dma_start3A_190 = arith.constant 0 : i32
        %dma_start3A_191 = tpu.memref_slice %arg5[%dma_start3A_189, %dma_start3A_190] : memref<10000x128xf32, #tpu.memory_space<hbm>> -> memref<10000x128xf32, #tpu.memory_space<hbm>>
        tpu.enqueue_indirect_dma source(%dma_start3A_191 : memref<10000x128xf32, #tpu.memory_space<hbm>>) target(%arg9 : memref<100x128xf32, #tpu.memory_space<vmem>>) offsets(%arg11 : memref<100xi32, #tpu.memory_space<vmem>>) semaphore(%arg19 : memref<!tpu.dma_semaphore, #tpu.memory_space<semaphore_mem>>)
      } else {
      }
      %scan3A_118 = arith.constant 0 : i32
      %scan3A_119 = arith.constant 0 : i32
      %scan3A_120 = arith.constant 100 : i32
      %scan3A_121 = arith.addi %scan3A_119, %scan3A_120 : i32
      %scan3A_122 = arith.constant 1 : i32
      %scan3A_123 = scf.for %scan3A_189 = %scan3A_119 to %scan3A_121 step %scan3A_122 iter_args(%scan3A_190 = %scan3A_118) -> (i32)  : i32 {
        %get3A = arith.index_cast %scan3A_189 : i32 to index
        %get3A_191 = arith.constant 0 : index
        %get3A_192 = tpu.vector_load %arg7[%get3A, %get3A_191] {strides = array<i32>} : memref<100x128xf32, #tpu.memory_space<vmem>>, vector<1x16xf32>,
        %get3A_193 = vector.shape_cast %get3A_192 : vector<1x16xf32> to vector<16xf32>
        %get3A_194 = arith.index_cast %scan3A_189 : i32 to index
        %get3A_195 = arith.constant 0 : index
        %get3A_196 = tpu.vector_load %arg8[%get3A_194, %get3A_195] {strides = array<i32>} : memref<100x128xf32, #tpu.memory_space<vmem>>, vector<1x16xf32>,
        %get3A_197 = vector.shape_cast %get3A_196 : vector<1x16xf32> to vector<16xf32>
        %mul3A_198 = arith.mulf %get3A_193, %get3A_197 : vector<16xf32>
        %swap3A = arith.index_cast %scan3A_189 : i32 to index
        %swap3A_199 = arith.constant 0 : index
        %swap3A_200 = tpu.vector_load %arg7[%swap3A, %swap3A_199] {strides = array<i32>} : memref<100x128xf32, #tpu.memory_space<vmem>>, vector<1x16xf32>,
        %swap3A_201 = vector.shape_cast %swap3A_200 : vector<1x16xf32> to vector<16xf32>
        %swap3A_202 = vector.shape_cast %mul3A_198 : vector<16xf32> to vector<1x16xf32>
        tpu.vector_store %arg7[%swap3A, %swap3A_199], %swap3A_202 {strides = array<i32>} : memref<100x128xf32, #tpu.memory_space<vmem>>, vector<1x16xf32>,
        %get3A_203 = arith.index_cast %scan3A_189 : i32 to index
        %get3A_204 = arith.constant 16 : index
        %get3A_205 = tpu.vector_load %arg7[%get3A_203, %get3A_204] {strides = array<i32>} : memref<100x128xf32, #tpu.memory_space<vmem>>, vector<1x16xf32>,
        %get3A_206 = vector.shape_cast %get3A_205 : vector<1x16xf32> to vector<16xf32>
        %get3A_207 = arith.index_cast %scan3A_189 : i32 to index
        %get3A_208 = arith.constant 16 : index
        %get3A_209 = tpu.vector_load %arg8[%get3A_207, %get3A_208] {strides = array<i32>} : memref<100x128xf32, #tpu.memory_space<vmem>>, vector<1x16xf32>,
        %get3A_210 = vector.shape_cast %get3A_209 : vector<1x16xf32> to vector<16xf32>
        %mul3A_211 = arith.mulf %get3A_206, %get3A_210 : vector<16xf32>
        %swap3A_212 = arith.index_cast %scan3A_189 : i32 to index
        %swap3A_213 = arith.constant 16 : index
        %swap3A_214 = tpu.vector_load %arg7[%swap3A_212, %swap3A_213] {strides = array<i32>} : memref<100x128xf32, #tpu.memory_space<vmem>>, vector<1x16xf32>,
        %swap3A_215 = vector.shape_cast %swap3A_214 : vector<1x16xf32> to vector<16xf32>
        %swap3A_216 = vector.shape_cast %mul3A_211 : vector<16xf32> to vector<1x16xf32>
        tpu.vector_store %arg7[%swap3A_212, %swap3A_213], %swap3A_216 {strides = array<i32>} : memref<100x128xf32, #tpu.memory_space<vmem>>, vector<1x16xf32>,
        %get3A_217 = arith.index_cast %scan3A_189 : i32 to index
        %get3A_218 = arith.constant 32 : index
        %get3A_219 = tpu.vector_load %arg7[%get3A_217, %get3A_218] {strides = array<i32>} : memref<100x128xf32, #tpu.memory_space<vmem>>, vector<1x16xf32>,
        %get3A_220 = vector.shape_cast %get3A_219 : vector<1x16xf32> to vector<16xf32>
        %get3A_221 = arith.index_cast %scan3A_189 : i32 to index
        %get3A_222 = arith.constant 32 : index
        %get3A_223 = tpu.vector_load %arg8[%get3A_221, %get3A_222] {strides = array<i32>} : memref<100x128xf32, #tpu.memory_space<vmem>>, vector<1x16xf32>,
        %get3A_224 = vector.shape_cast %get3A_223 : vector<1x16xf32> to vector<16xf32>
        %mul3A_225 = arith.mulf %get3A_220, %get3A_224 : vector<16xf32>
        %swap3A_226 = arith.index_cast %scan3A_189 : i32 to index
        %swap3A_227 = arith.constant 32 : index
        %swap3A_228 = tpu.vector_load %arg7[%swap3A_226, %swap3A_227] {strides = array<i32>} : memref<100x128xf32, #tpu.memory_space<vmem>>, vector<1x16xf32>,
        %swap3A_229 = vector.shape_cast %swap3A_228 : vector<1x16xf32> to vector<16xf32>
        %swap3A_230 = vector.shape_cast %mul3A_225 : vector<16xf32> to vector<1x16xf32>
        tpu.vector_store %arg7[%swap3A_226, %swap3A_227], %swap3A_230 {strides = array<i32>} : memref<100x128xf32, #tpu.memory_space<vmem>>, vector<1x16xf32>,
        %get3A_231 = arith.index_cast %scan3A_189 : i32 to index
        %get3A_232 = arith.constant 48 : index
        %get3A_233 = tpu.vector_load %arg7[%get3A_231, %get3A_232] {strides = array<i32>} : memref<100x128xf32, #tpu.memory_space<vmem>>, vector<1x16xf32>,
        %get3A_234 = vector.shape_cast %get3A_233 : vector<1x16xf32> to vector<16xf32>
        %get3A_235 = arith.index_cast %scan3A_189 : i32 to index
        %get3A_236 = arith.constant 48 : index
        %get3A_237 = tpu.vector_load %arg8[%get3A_235, %get3A_236] {strides = array<i32>} : memref<100x128xf32, #tpu.memory_space<vmem>>, vector<1x16xf32>,
        %get3A_238 = vector.shape_cast %get3A_237 : vector<1x16xf32> to vector<16xf32>
        %mul3A_239 = arith.mulf %get3A_234, %get3A_238 : vector<16xf32>
        %swap3A_240 = arith.index_cast %scan3A_189 : i32 to index
        %swap3A_241 = arith.constant 48 : index
        %swap3A_242 = tpu.vector_load %arg7[%swap3A_240, %swap3A_241] {strides = array<i32>} : memref<100x128xf32, #tpu.memory_space<vmem>>, vector<1x16xf32>,
        %swap3A_243 = vector.shape_cast %swap3A_242 : vector<1x16xf32> to vector<16xf32>
        %swap3A_244 = vector.shape_cast %mul3A_239 : vector<16xf32> to vector<1x16xf32>
        tpu.vector_store %arg7[%swap3A_240, %swap3A_241], %swap3A_244 {strides = array<i32>} : memref<100x128xf32, #tpu.memory_space<vmem>>, vector<1x16xf32>,
        %get3A_245 = arith.index_cast %scan3A_189 : i32 to index
        %get3A_246 = arith.constant 64 : index
        %get3A_247 = tpu.vector_load %arg7[%get3A_245, %get3A_246] {strides = array<i32>} : memref<100x128xf32, #tpu.memory_space<vmem>>, vector<1x16xf32>,
        %get3A_248 = vector.shape_cast %get3A_247 : vector<1x16xf32> to vector<16xf32>
        %get3A_249 = arith.index_cast %scan3A_189 : i32 to index
        %get3A_250 = arith.constant 64 : index
        %get3A_251 = tpu.vector_load %arg8[%get3A_249, %get3A_250] {strides = array<i32>} : memref<100x128xf32, #tpu.memory_space<vmem>>, vector<1x16xf32>,
        %get3A_252 = vector.shape_cast %get3A_251 : vector<1x16xf32> to vector<16xf32>
        %mul3A_253 = arith.mulf %get3A_248, %get3A_252 : vector<16xf32>
        %swap3A_254 = arith.index_cast %scan3A_189 : i32 to index
        %swap3A_255 = arith.constant 64 : index
        %swap3A_256 = tpu.vector_load %arg7[%swap3A_254, %swap3A_255] {strides = array<i32>} : memref<100x128xf32, #tpu.memory_space<vmem>>, vector<1x16xf32>,
        %swap3A_257 = vector.shape_cast %swap3A_256 : vector<1x16xf32> to vector<16xf32>
        %swap3A_258 = vector.shape_cast %mul3A_253 : vector<16xf32> to vector<1x16xf32>
        tpu.vector_store %arg7[%swap3A_254, %swap3A_255], %swap3A_258 {strides = array<i32>} : memref<100x128xf32, #tpu.memory_space<vmem>>, vector<1x16xf32>,
        %get3A_259 = arith.index_cast %scan3A_189 : i32 to index
        %get3A_260 = arith.constant 80 : index
        %get3A_261 = tpu.vector_load %arg7[%get3A_259, %get3A_260] {strides = array<i32>} : memref<100x128xf32, #tpu.memory_space<vmem>>, vector<1x16xf32>,
        %get3A_262 = vector.shape_cast %get3A_261 : vector<1x16xf32> to vector<16xf32>
        %get3A_263 = arith.index_cast %scan3A_189 : i32 to index
        %get3A_264 = arith.constant 80 : index
        %get3A_265 = tpu.vector_load %arg8[%get3A_263, %get3A_264] {strides = array<i32>} : memref<100x128xf32, #tpu.memory_space<vmem>>, vector<1x16xf32>,
        %get3A_266 = vector.shape_cast %get3A_265 : vector<1x16xf32> to vector<16xf32>
        %mul3A_267 = arith.mulf %get3A_262, %get3A_266 : vector<16xf32>
        %swap3A_268 = arith.index_cast %scan3A_189 : i32 to index
        %swap3A_269 = arith.constant 80 : index
        %swap3A_270 = tpu.vector_load %arg7[%swap3A_268, %swap3A_269] {strides = array<i32>} : memref<100x128xf32, #tpu.memory_space<vmem>>, vector<1x16xf32>,
        %swap3A_271 = vector.shape_cast %swap3A_270 : vector<1x16xf32> to vector<16xf32>
        %swap3A_272 = vector.shape_cast %mul3A_267 : vector<16xf32> to vector<1x16xf32>
        tpu.vector_store %arg7[%swap3A_268, %swap3A_269], %swap3A_272 {strides = array<i32>} : memref<100x128xf32, #tpu.memory_space<vmem>>, vector<1x16xf32>,
        %get3A_273 = arith.index_cast %scan3A_189 : i32 to index
        %get3A_274 = arith.constant 96 : index
        %get3A_275 = tpu.vector_load %arg7[%get3A_273, %get3A_274] {strides = array<i32>} : memref<100x128xf32, #tpu.memory_space<vmem>>, vector<1x16xf32>,
        %get3A_276 = vector.shape_cast %get3A_275 : vector<1x16xf32> to vector<16xf32>
        %get3A_277 = arith.index_cast %scan3A_189 : i32 to index
        %get3A_278 = arith.constant 96 : index
        %get3A_279 = tpu.vector_load %arg8[%get3A_277, %get3A_278] {strides = array<i32>} : memref<100x128xf32, #tpu.memory_space<vmem>>, vector<1x16xf32>,
        %get3A_280 = vector.shape_cast %get3A_279 : vector<1x16xf32> to vector<16xf32>
        %mul3A_281 = arith.mulf %get3A_276, %get3A_280 : vector<16xf32>
        %swap3A_282 = arith.index_cast %scan3A_189 : i32 to index
        %swap3A_283 = arith.constant 96 : index
        %swap3A_284 = tpu.vector_load %arg7[%swap3A_282, %swap3A_283] {strides = array<i32>} : memref<100x128xf32, #tpu.memory_space<vmem>>, vector<1x16xf32>,
        %swap3A_285 = vector.shape_cast %swap3A_284 : vector<1x16xf32> to vector<16xf32>
        %swap3A_286 = vector.shape_cast %mul3A_281 : vector<16xf32> to vector<1x16xf32>
        tpu.vector_store %arg7[%swap3A_282, %swap3A_283], %swap3A_286 {strides = array<i32>} : memref<100x128xf32, #tpu.memory_space<vmem>>, vector<1x16xf32>,
        %get3A_287 = arith.index_cast %scan3A_189 : i32 to index
        %get3A_288 = arith.constant 112 : index
        %get3A_289 = tpu.vector_load %arg7[%get3A_287, %get3A_288] {strides = array<i32>} : memref<100x128xf32, #tpu.memory_space<vmem>>, vector<1x16xf32>,
        %get3A_290 = vector.shape_cast %get3A_289 : vector<1x16xf32> to vector<16xf32>
        %get3A_291 = arith.index_cast %scan3A_189 : i32 to index
        %get3A_292 = arith.constant 112 : index
        %get3A_293 = tpu.vector_load %arg8[%get3A_291, %get3A_292] {strides = array<i32>} : memref<100x128xf32, #tpu.memory_space<vmem>>, vector<1x16xf32>,
        %get3A_294 = vector.shape_cast %get3A_293 : vector<1x16xf32> to vector<16xf32>
        %mul3A_295 = arith.mulf %get3A_290, %get3A_294 : vector<16xf32>
        %swap3A_296 = arith.index_cast %scan3A_189 : i32 to index
        %swap3A_297 = arith.constant 112 : index
        %swap3A_298 = tpu.vector_load %arg7[%swap3A_296, %swap3A_297] {strides = array<i32>} : memref<100x128xf32, #tpu.memory_space<vmem>>, vector<1x16xf32>,
        %swap3A_299 = vector.shape_cast %swap3A_298 : vector<1x16xf32> to vector<16xf32>
        %swap3A_300 = vector.shape_cast %mul3A_295 : vector<16xf32> to vector<1x16xf32>
        tpu.vector_store %arg7[%swap3A_296, %swap3A_297], %swap3A_300 {strides = array<i32>} : memref<100x128xf32, #tpu.memory_space<vmem>>, vector<1x16xf32>,
        %scan3A_301 = arith.constant 0 : i32
        scf.yield %scan3A_301 : i32
      }
      %scan3A_124 = arith.constant 100 : i32
      "tpu.region"() ({
        %run_scoped3A = tpu.sem_alloc : memref<!tpu.dma_semaphore, #tpu.memory_space<semaphore_mem>>
        %dma_start3A_189 = arith.constant 0 : i32
        %dma_start3A_190 = arith.constant 0 : i32
        %dma_start3A_191 = tpu.memref_slice %arg14[%dma_start3A_189, %dma_start3A_190] : memref<10000x128xf32, #tpu.memory_space<vmem_shared>> -> memref<10000x128xf32, #tpu.memory_space<vmem_shared>>
        tpu.enqueue_indirect_dma source(%arg7 : memref<100x128xf32, #tpu.memory_space<vmem>>) target(%dma_start3A_191 : memref<10000x128xf32, #tpu.memory_space<vmem_shared>>) offsets(%arg12 : memref<100xi32, #tpu.memory_space<vmem>>) semaphore(%run_scoped3A : memref<!tpu.dma_semaphore, #tpu.memory_space<semaphore_mem>>) {add = true}
        %dma_wait3A_192 = arith.constant 0 : i32
        %dma_wait3A_193 = arith.constant 0 : i32
        %dma_wait3A_194 = tpu.memref_slice %arg14[%dma_wait3A_192, %dma_wait3A_193] : memref<10000x128xf32, #tpu.memory_space<vmem_shared>> -> memref<10000x128xf32, #tpu.memory_space<vmem_shared>>
        tpu.wait_indirect_dma semaphore(%run_scoped3A : memref<!tpu.dma_semaphore, #tpu.memory_space<semaphore_mem>>) src(%arg7 : memref<100x128xf32, #tpu.memory_space<vmem>>) dst(%dma_wait3A_194 : memref<10000x128xf32, #tpu.memory_space<vmem_shared>>)
        tpu.yield
      }) : () -> ()
      %add3A_125 = arith.constant 2 : i32
      %add3A_126 = arith.addi %mul3A_96, %add3A_125 : i32
      %lt3A_127 = arith.constant 100 : i32
      %lt3A_128 = arith.cmpi slt, %add3A_126, %lt3A_127 : i32
      %convert_element_type3A_129 = arith.extui %lt3A_128 : i1 to i32
      %cond3A_130 = arith.constant 0 : i32
      %cond3A_131 = arith.cmpi ne, %convert_element_type3A_129, %cond3A_130 : i32
      scf.if %cond3A_131 {
        %add3A_189 = arith.constant 2 : i32
        %add3A_190 = arith.addi %add3A_97, %add3A_189 : i32
        %dma_start3A_191 = arith.constant 0 : i32
        %dma_start3A_192 = tpu.memref_slice %arg3[%add3A_190, %dma_start3A_191] : memref<3200x100xi32, #tpu.memory_space<hbm>> -> memref<1x100xi32, #tpu.memory_space<hbm>>
        %dma_start3A_193 = tpu.memref_squeeze %dma_start3A_192 : memref<1x100xi32, #tpu.memory_space<hbm>> -> memref<100xi32, #tpu.memory_space<hbm>>
        %dma_start3A_194 = arith.constant 0 : i32
        %dma_start3A_195 = tpu.memref_slice %arg3[%add3A_190, %dma_start3A_194] : memref<3200x100xi32, #tpu.memory_space<hbm>> -> memref<1x100xi32, #tpu.memory_space<hbm>>
        %dma_start3A_196 = tpu.memref_squeeze %dma_start3A_195 : memref<1x100xi32, #tpu.memory_space<hbm>> -> memref<100xi32, #tpu.memory_space<hbm>>
        tpu.enqueue_dma source(%dma_start3A_196 : memref<100xi32, #tpu.memory_space<hbm>>) target(%arg10 : memref<100xi32, #tpu.memory_space<vmem>>) target_semaphore(%arg16 : memref<!tpu.dma_semaphore, #tpu.memory_space<semaphore_mem>>)
        %dma_start3A_197 = arith.constant 0 : i32
        %dma_start3A_198 = tpu.memref_slice %arg4[%add3A_190, %dma_start3A_197] : memref<3200x100xi32, #tpu.memory_space<hbm>> -> memref<1x100xi32, #tpu.memory_space<hbm>>
        %dma_start3A_199 = tpu.memref_squeeze %dma_start3A_198 : memref<1x100xi32, #tpu.memory_space<hbm>> -> memref<100xi32, #tpu.memory_space<hbm>>
        %dma_start3A_200 = arith.constant 0 : i32
        %dma_start3A_201 = tpu.memref_slice %arg4[%add3A_190, %dma_start3A_200] : memref<3200x100xi32, #tpu.memory_space<hbm>> -> memref<1x100xi32, #tpu.memory_space<hbm>>
        %dma_start3A_202 = tpu.memref_squeeze %dma_start3A_201 : memref<1x100xi32, #tpu.memory_space<hbm>> -> memref<100xi32, #tpu.memory_space<hbm>>
        tpu.enqueue_dma source(%dma_start3A_202 : memref<100xi32, #tpu.memory_space<hbm>>) target(%arg12 : memref<100xi32, #tpu.memory_space<vmem>>) target_semaphore(%arg16 : memref<!tpu.dma_semaphore, #tpu.memory_space<semaphore_mem>>)
      } else {
      }
      %add3A_132 = arith.constant 1 : i32
      %add3A_133 = arith.addi %mul3A_96, %add3A_132 : i32
      %lt3A_134 = arith.constant 100 : i32
      %lt3A_135 = arith.cmpi slt, %add3A_133, %lt3A_134 : i32
      %convert_element_type3A_136 = arith.extui %lt3A_135 : i1 to i32
      %cond3A_137 = arith.constant 0 : i32
      %cond3A_138 = arith.cmpi ne, %convert_element_type3A_136, %cond3A_137 : i32
      scf.if %cond3A_138 {
        %add3A_189 = arith.constant 1 : i32
        %add3A_190 = arith.addi %add3A_97, %add3A_189 : i32
        %mul3A_191 = arith.constant 100 : i32
        %mul3A_192 = arith.muli %add3A_190, %mul3A_191 : i32
        %dma_start3A_193 = arith.constant 0 : i32
        %dma_start3A_194 = tpu.memref_slice %arg2[%mul3A_192, %dma_start3A_193] : memref<320000x128xf32, #tpu.memory_space<hbm>> -> memref<100x128xf32, #tpu.memory_space<hbm>>
        %dma_start3A_195 = arith.constant 0 : i32
        %dma_start3A_196 = tpu.memref_slice %arg2[%mul3A_192, %dma_start3A_195] : memref<320000x128xf32, #tpu.memory_space<hbm>> -> memref<100x128xf32, #tpu.memory_space<hbm>>
        tpu.enqueue_dma source(%dma_start3A_196 : memref<100x128xf32, #tpu.memory_space<hbm>>) target(%arg7 : memref<100x128xf32, #tpu.memory_space<vmem>>) target_semaphore(%arg15 : memref<!tpu.dma_semaphore, #tpu.memory_space<semaphore_mem>>)
      } else {
      }
      %mul3A_139 = arith.constant 2 : i32
      %mul3A_140 = arith.muli %scan3A_93, %mul3A_139 : i32
      %add3A_141 = arith.constant 1 : i32
      %add3A_142 = arith.addi %mul3A_140, %add3A_141 : i32
      %add3A_143 = arith.addi %mul3A_37, %add3A_142 : i32
      %add3A_144 = arith.constant 1 : i32
      %add3A_145 = arith.addi %add3A_142, %add3A_144 : i32
      %lt3A_146 = arith.constant 100 : i32
      %lt3A_147 = arith.cmpi slt, %add3A_145, %lt3A_146 : i32
      %convert_element_type3A_148 = arith.extui %lt3A_147 : i1 to i32
      %cond3A_149 = arith.constant 0 : i32
      %cond3A_150 = arith.cmpi ne, %convert_element_type3A_148, %cond3A_149 : i32
      scf.if %cond3A_150 {
        %add3A_189 = arith.constant 1 : i32
        %add3A_190 = arith.addi %add3A_143, %add3A_189 : i32
        %dma_wait3A_191 = arith.constant 0 : i32
        %dma_wait3A_192 = tpu.memref_slice %arg3[%add3A_190, %dma_wait3A_191] : memref<3200x100xi32, #tpu.memory_space<hbm>> -> memref<1x100xi32, #tpu.memory_space<hbm>>
        %dma_wait3A_193 = tpu.memref_squeeze %dma_wait3A_192 : memref<1x100xi32, #tpu.memory_space<hbm>> -> memref<100xi32, #tpu.memory_space<hbm>>
        %dma_wait3A_194 = arith.constant 0 : i32
        %dma_wait3A_195 = tpu.memref_slice %arg3[%add3A_190, %dma_wait3A_194] : memref<3200x100xi32, #tpu.memory_space<hbm>> -> memref<1x100xi32, #tpu.memory_space<hbm>>
        %dma_wait3A_196 = tpu.memref_squeeze %dma_wait3A_195 : memref<1x100xi32, #tpu.memory_space<hbm>> -> memref<100xi32, #tpu.memory_space<hbm>>
        tpu.wait_dma2 semaphore(%arg16 : memref<!tpu.dma_semaphore, #tpu.memory_space<semaphore_mem>>) src(%dma_wait3A_196 : memref<100xi32, #tpu.memory_space<hbm>>) dst(%arg10 : memref<100xi32, #tpu.memory_space<vmem>>)
        %dma_wait3A_197 = arith.constant 0 : i32
        %dma_wait3A_198 = tpu.memref_slice %arg4[%add3A_190, %dma_wait3A_197] : memref<3200x100xi32, #tpu.memory_space<hbm>> -> memref<1x100xi32, #tpu.memory_space<hbm>>
        %dma_wait3A_199 = tpu.memref_squeeze %dma_wait3A_198 : memref<1x100xi32, #tpu.memory_space<hbm>> -> memref<100xi32, #tpu.memory_space<hbm>>
        %dma_wait3A_200 = arith.constant 0 : i32
        %dma_wait3A_201 = tpu.memref_slice %arg4[%add3A_190, %dma_wait3A_200] : memref<3200x100xi32, #tpu.memory_space<hbm>> -> memref<1x100xi32, #tpu.memory_space<hbm>>
        %dma_wait3A_202 = tpu.memref_squeeze %dma_wait3A_201 : memref<1x100xi32, #tpu.memory_space<hbm>> -> memref<100xi32, #tpu.memory_space<hbm>>
        tpu.wait_dma2 semaphore(%arg16 : memref<!tpu.dma_semaphore, #tpu.memory_space<semaphore_mem>>) src(%dma_wait3A_202 : memref<100xi32, #tpu.memory_space<hbm>>) dst(%arg12 : memref<100xi32, #tpu.memory_space<vmem>>)
      } else {
      }
      %dma_wait3A_151 = arith.constant 0 : i32
      %dma_wait3A_152 = arith.constant 0 : i32
      %dma_wait3A_153 = tpu.memref_slice %arg5[%dma_wait3A_151, %dma_wait3A_152] : memref<10000x128xf32, #tpu.memory_space<hbm>> -> memref<10000x128xf32, #tpu.memory_space<hbm>>
      tpu.wait_indirect_dma semaphore(%arg19 : memref<!tpu.dma_semaphore, #tpu.memory_space<semaphore_mem>>) src(%dma_wait3A_153 : memref<10000x128xf32, #tpu.memory_space<hbm>>) dst(%arg9 : memref<100x128xf32, #tpu.memory_space<vmem>>)
      %mul3A_154 = arith.constant 100 : i32
      %mul3A_155 = arith.muli %add3A_143, %mul3A_154 : i32
      %dma_wait3A_156 = arith.constant 0 : i32
      %dma_wait3A_157 = tpu.memref_slice %arg2[%mul3A_155, %dma_wait3A_156] : memref<320000x128xf32, #tpu.memory_space<hbm>> -> memref<100x128xf32, #tpu.memory_space<hbm>>
      %dma_wait3A_158 = arith.constant 0 : i32
      %dma_wait3A_159 = tpu.memref_slice %arg2[%mul3A_155, %dma_wait3A_158] : memref<320000x128xf32, #tpu.memory_space<hbm>> -> memref<100x128xf32, #tpu.memory_space<hbm>>
      tpu.wait_dma2 semaphore(%arg15 : memref<!tpu.dma_semaphore, #tpu.memory_space<semaphore_mem>>) src(%dma_wait3A_159 : memref<100x128xf32, #tpu.memory_space<hbm>>) dst(%arg7 : memref<100x128xf32, #tpu.memory_space<vmem>>)
      %add3A_160 = arith.constant 1 : i32
      %add3A_161 = arith.addi %add3A_142, %add3A_160 : i32
      %lt3A_162 = arith.constant 100 : i32
      %lt3A_163 = arith.cmpi slt, %add3A_161, %lt3A_162 : i32
      %convert_element_type3A_164 = arith.extui %lt3A_163 : i1 to i32
      %cond3A_165 = arith.constant 0 : i32
      %cond3A_166 = arith.cmpi ne, %convert_element_type3A_164, %cond3A_165 : i32
      scf.if %cond3A_166 {
        %dma_start3A_189 = arith.constant 0 : i32
        %dma_start3A_190 = arith.constant 0 : i32
        %dma_start3A_191 = tpu.memref_slice %arg5[%dma_start3A_189, %dma_start3A_190] : memref<10000x128xf32, #tpu.memory_space<hbm>> -> memref<10000x128xf32, #tpu.memory_space<hbm>>
        tpu.enqueue_indirect_dma source(%dma_start3A_191 : memref<10000x128xf32, #tpu.memory_space<hbm>>) target(%arg8 : memref<100x128xf32, #tpu.memory_space<vmem>>) offsets(%arg10 : memref<100xi32, #tpu.memory_space<vmem>>) semaphore(%arg18 : memref<!tpu.dma_semaphore, #tpu.memory_space<semaphore_mem>>)
      } else {
      }
      %scan3A_167 = arith.constant 0 : i32
      %scan3A_168 = arith.constant 0 : i32
      %scan3A_169 = arith.constant 100 : i32
      %scan3A_170 = arith.addi %scan3A_168, %scan3A_169 : i32
      %scan3A_171 = arith.constant 1 : i32
      %scan3A_172 = scf.for %scan3A_189 = %scan3A_168 to %scan3A_170 step %scan3A_171 iter_args(%scan3A_190 = %scan3A_167) -> (i32)  : i32 {
        %get3A = arith.index_cast %scan3A_189 : i32 to index
        %get3A_191 = arith.constant 0 : index
        %get3A_192 = tpu.vector_load %arg7[%get3A, %get3A_191] {strides = array<i32>} : memref<100x128xf32, #tpu.memory_space<vmem>>, vector<1x16xf32>,
        %get3A_193 = vector.shape_cast %get3A_192 : vector<1x16xf32> to vector<16xf32>
        %get3A_194 = arith.index_cast %scan3A_189 : i32 to index
        %get3A_195 = arith.constant 0 : index
        %get3A_196 = tpu.vector_load %arg9[%get3A_194, %get3A_195] {strides = array<i32>} : memref<100x128xf32, #tpu.memory_space<vmem>>, vector<1x16xf32>,
        %get3A_197 = vector.shape_cast %get3A_196 : vector<1x16xf32> to vector<16xf32>
        %mul3A_198 = arith.mulf %get3A_193, %get3A_197 : vector<16xf32>
        %swap3A = arith.index_cast %scan3A_189 : i32 to index
        %swap3A_199 = arith.constant 0 : index
        %swap3A_200 = tpu.vector_load %arg7[%swap3A, %swap3A_199] {strides = array<i32>} : memref<100x128xf32, #tpu.memory_space<vmem>>, vector<1x16xf32>,
        %swap3A_201 = vector.shape_cast %swap3A_200 : vector<1x16xf32> to vector<16xf32>
        %swap3A_202 = vector.shape_cast %mul3A_198 : vector<16xf32> to vector<1x16xf32>
        tpu.vector_store %arg7[%swap3A, %swap3A_199], %swap3A_202 {strides = array<i32>} : memref<100x128xf32, #tpu.memory_space<vmem>>, vector<1x16xf32>,
        %get3A_203 = arith.index_cast %scan3A_189 : i32 to index
        %get3A_204 = arith.constant 16 : index
        %get3A_205 = tpu.vector_load %arg7[%get3A_203, %get3A_204] {strides = array<i32>} : memref<100x128xf32, #tpu.memory_space<vmem>>, vector<1x16xf32>,
        %get3A_206 = vector.shape_cast %get3A_205 : vector<1x16xf32> to vector<16xf32>
        %get3A_207 = arith.index_cast %scan3A_189 : i32 to index
        %get3A_208 = arith.constant 16 : index
        %get3A_209 = tpu.vector_load %arg9[%get3A_207, %get3A_208] {strides = array<i32>} : memref<100x128xf32, #tpu.memory_space<vmem>>, vector<1x16xf32>,
        %get3A_210 = vector.shape_cast %get3A_209 : vector<1x16xf32> to vector<16xf32>
        %mul3A_211 = arith.mulf %get3A_206, %get3A_210 : vector<16xf32>
        %swap3A_212 = arith.index_cast %scan3A_189 : i32 to index
        %swap3A_213 = arith.constant 16 : index
        %swap3A_214 = tpu.vector_load %arg7[%swap3A_212, %swap3A_213] {strides = array<i32>} : memref<100x128xf32, #tpu.memory_space<vmem>>, vector<1x16xf32>,
        %swap3A_215 = vector.shape_cast %swap3A_214 : vector<1x16xf32> to vector<16xf32>
        %swap3A_216 = vector.shape_cast %mul3A_211 : vector<16xf32> to vector<1x16xf32>
        tpu.vector_store %arg7[%swap3A_212, %swap3A_213], %swap3A_216 {strides = array<i32>} : memref<100x128xf32, #tpu.memory_space<vmem>>, vector<1x16xf32>,
        %get3A_217 = arith.index_cast %scan3A_189 : i32 to index
        %get3A_218 = arith.constant 32 : index
        %get3A_219 = tpu.vector_load %arg7[%get3A_217, %get3A_218] {strides = array<i32>} : memref<100x128xf32, #tpu.memory_space<vmem>>, vector<1x16xf32>,
        %get3A_220 = vector.shape_cast %get3A_219 : vector<1x16xf32> to vector<16xf32>
        %get3A_221 = arith.index_cast %scan3A_189 : i32 to index
        %get3A_222 = arith.constant 32 : index
        %get3A_223 = tpu.vector_load %arg9[%get3A_221, %get3A_222] {strides = array<i32>} : memref<100x128xf32, #tpu.memory_space<vmem>>, vector<1x16xf32>,
        %get3A_224 = vector.shape_cast %get3A_223 : vector<1x16xf32> to vector<16xf32>
        %mul3A_225 = arith.mulf %get3A_220, %get3A_224 : vector<16xf32>
        %swap3A_226 = arith.index_cast %scan3A_189 : i32 to index
        %swap3A_227 = arith.constant 32 : index
        %swap3A_228 = tpu.vector_load %arg7[%swap3A_226, %swap3A_227] {strides = array<i32>} : memref<100x128xf32, #tpu.memory_space<vmem>>, vector<1x16xf32>,
        %swap3A_229 = vector.shape_cast %swap3A_228 : vector<1x16xf32> to vector<16xf32>
        %swap3A_230 = vector.shape_cast %mul3A_225 : vector<16xf32> to vector<1x16xf32>
        tpu.vector_store %arg7[%swap3A_226, %swap3A_227], %swap3A_230 {strides = array<i32>} : memref<100x128xf32, #tpu.memory_space<vmem>>, vector<1x16xf32>,
        %get3A_231 = arith.index_cast %scan3A_189 : i32 to index
        %get3A_232 = arith.constant 48 : index
        %get3A_233 = tpu.vector_load %arg7[%get3A_231, %get3A_232] {strides = array<i32>} : memref<100x128xf32, #tpu.memory_space<vmem>>, vector<1x16xf32>,
        %get3A_234 = vector.shape_cast %get3A_233 : vector<1x16xf32> to vector<16xf32>
        %get3A_235 = arith.index_cast %scan3A_189 : i32 to index
        %get3A_236 = arith.constant 48 : index
        %get3A_237 = tpu.vector_load %arg9[%get3A_235, %get3A_236] {strides = array<i32>} : memref<100x128xf32, #tpu.memory_space<vmem>>, vector<1x16xf32>,
        %get3A_238 = vector.shape_cast %get3A_237 : vector<1x16xf32> to vector<16xf32>
        %mul3A_239 = arith.mulf %get3A_234, %get3A_238 : vector<16xf32>
        %swap3A_240 = arith.index_cast %scan3A_189 : i32 to index
        %swap3A_241 = arith.constant 48 : index
        %swap3A_242 = tpu.vector_load %arg7[%swap3A_240, %swap3A_241] {strides = array<i32>} : memref<100x128xf32, #tpu.memory_space<vmem>>, vector<1x16xf32>,
        %swap3A_243 = vector.shape_cast %swap3A_242 : vector<1x16xf32> to vector<16xf32>
        %swap3A_244 = vector.shape_cast %mul3A_239 : vector<16xf32> to vector<1x16xf32>
        tpu.vector_store %arg7[%swap3A_240, %swap3A_241], %swap3A_244 {strides = array<i32>} : memref<100x128xf32, #tpu.memory_space<vmem>>, vector<1x16xf32>,
        %get3A_245 = arith.index_cast %scan3A_189 : i32 to index
        %get3A_246 = arith.constant 64 : index
        %get3A_247 = tpu.vector_load %arg7[%get3A_245, %get3A_246] {strides = array<i32>} : memref<100x128xf32, #tpu.memory_space<vmem>>, vector<1x16xf32>,
        %get3A_248 = vector.shape_cast %get3A_247 : vector<1x16xf32> to vector<16xf32>
        %get3A_249 = arith.index_cast %scan3A_189 : i32 to index
        %get3A_250 = arith.constant 64 : index
        %get3A_251 = tpu.vector_load %arg9[%get3A_249, %get3A_250] {strides = array<i32>} : memref<100x128xf32, #tpu.memory_space<vmem>>, vector<1x16xf32>,
        %get3A_252 = vector.shape_cast %get3A_251 : vector<1x16xf32> to vector<16xf32>
        %mul3A_253 = arith.mulf %get3A_248, %get3A_252 : vector<16xf32>
        %swap3A_254 = arith.index_cast %scan3A_189 : i32 to index
        %swap3A_255 = arith.constant 64 : index
        %swap3A_256 = tpu.vector_load %arg7[%swap3A_254, %swap3A_255] {strides = array<i32>} : memref<100x128xf32, #tpu.memory_space<vmem>>, vector<1x16xf32>,
        %swap3A_257 = vector.shape_cast %swap3A_256 : vector<1x16xf32> to vector<16xf32>
        %swap3A_258 = vector.shape_cast %mul3A_253 : vector<16xf32> to vector<1x16xf32>
        tpu.vector_store %arg7[%swap3A_254, %swap3A_255], %swap3A_258 {strides = array<i32>} : memref<100x128xf32, #tpu.memory_space<vmem>>, vector<1x16xf32>,
        %get3A_259 = arith.index_cast %scan3A_189 : i32 to index
        %get3A_260 = arith.constant 80 : index
        %get3A_261 = tpu.vector_load %arg7[%get3A_259, %get3A_260] {strides = array<i32>} : memref<100x128xf32, #tpu.memory_space<vmem>>, vector<1x16xf32>,
        %get3A_262 = vector.shape_cast %get3A_261 : vector<1x16xf32> to vector<16xf32>
        %get3A_263 = arith.index_cast %scan3A_189 : i32 to index
        %get3A_264 = arith.constant 80 : index
        %get3A_265 = tpu.vector_load %arg9[%get3A_263, %get3A_264] {strides = array<i32>} : memref<100x128xf32, #tpu.memory_space<vmem>>, vector<1x16xf32>,
        %get3A_266 = vector.shape_cast %get3A_265 : vector<1x16xf32> to vector<16xf32>
        %mul3A_267 = arith.mulf %get3A_262, %get3A_266 : vector<16xf32>
        %swap3A_268 = arith.index_cast %scan3A_189 : i32 to index
        %swap3A_269 = arith.constant 80 : index
        %swap3A_270 = tpu.vector_load %arg7[%swap3A_268, %swap3A_269] {strides = array<i32>} : memref<100x128xf32, #tpu.memory_space<vmem>>, vector<1x16xf32>,
        %swap3A_271 = vector.shape_cast %swap3A_270 : vector<1x16xf32> to vector<16xf32>
        %swap3A_272 = vector.shape_cast %mul3A_267 : vector<16xf32> to vector<1x16xf32>
        tpu.vector_store %arg7[%swap3A_268, %swap3A_269], %swap3A_272 {strides = array<i32>} : memref<100x128xf32, #tpu.memory_space<vmem>>, vector<1x16xf32>,
        %get3A_273 = arith.index_cast %scan3A_189 : i32 to index
        %get3A_274 = arith.constant 96 : index
        %get3A_275 = tpu.vector_load %arg7[%get3A_273, %get3A_274] {strides = array<i32>} : memref<100x128xf32, #tpu.memory_space<vmem>>, vector<1x16xf32>,
        %get3A_276 = vector.shape_cast %get3A_275 : vector<1x16xf32> to vector<16xf32>
        %get3A_277 = arith.index_cast %scan3A_189 : i32 to index
        %get3A_278 = arith.constant 96 : index
        %get3A_279 = tpu.vector_load %arg9[%get3A_277, %get3A_278] {strides = array<i32>} : memref<100x128xf32, #tpu.memory_space<vmem>>, vector<1x16xf32>,
        %get3A_280 = vector.shape_cast %get3A_279 : vector<1x16xf32> to vector<16xf32>
        %mul3A_281 = arith.mulf %get3A_276, %get3A_280 : vector<16xf32>
        %swap3A_282 = arith.index_cast %scan3A_189 : i32 to index
        %swap3A_283 = arith.constant 96 : index
        %swap3A_284 = tpu.vector_load %arg7[%swap3A_282, %swap3A_283] {strides = array<i32>} : memref<100x128xf32, #tpu.memory_space<vmem>>, vector<1x16xf32>,
        %swap3A_285 = vector.shape_cast %swap3A_284 : vector<1x16xf32> to vector<16xf32>
        %swap3A_286 = vector.shape_cast %mul3A_281 : vector<16xf32> to vector<1x16xf32>
        tpu.vector_store %arg7[%swap3A_282, %swap3A_283], %swap3A_286 {strides = array<i32>} : memref<100x128xf32, #tpu.memory_space<vmem>>, vector<1x16xf32>,
        %get3A_287 = arith.index_cast %scan3A_189 : i32 to index
        %get3A_288 = arith.constant 112 : index
        %get3A_289 = tpu.vector_load %arg7[%get3A_287, %get3A_288] {strides = array<i32>} : memref<100x128xf32, #tpu.memory_space<vmem>>, vector<1x16xf32>,
        %get3A_290 = vector.shape_cast %get3A_289 : vector<1x16xf32> to vector<16xf32>
        %get3A_291 = arith.index_cast %scan3A_189 : i32 to index
        %get3A_292 = arith.constant 112 : index
        %get3A_293 = tpu.vector_load %arg9[%get3A_291, %get3A_292] {strides = array<i32>} : memref<100x128xf32, #tpu.memory_space<vmem>>, vector<1x16xf32>,
        %get3A_294 = vector.shape_cast %get3A_293 : vector<1x16xf32> to vector<16xf32>
        %mul3A_295 = arith.mulf %get3A_290, %get3A_294 : vector<16xf32>
        %swap3A_296 = arith.index_cast %scan3A_189 : i32 to index
        %swap3A_297 = arith.constant 112 : index
        %swap3A_298 = tpu.vector_load %arg7[%swap3A_296, %swap3A_297] {strides = array<i32>} : memref<100x128xf32, #tpu.memory_space<vmem>>, vector<1x16xf32>,
        %swap3A_299 = vector.shape_cast %swap3A_298 : vector<1x16xf32> to vector<16xf32>
        %swap3A_300 = vector.shape_cast %mul3A_295 : vector<16xf32> to vector<1x16xf32>
        tpu.vector_store %arg7[%swap3A_296, %swap3A_297], %swap3A_300 {strides = array<i32>} : memref<100x128xf32, #tpu.memory_space<vmem>>, vector<1x16xf32>,
        %scan3A_301 = arith.constant 0 : i32
        scf.yield %scan3A_301 : i32
      }
      %scan3A_173 = arith.constant 100 : i32
      "tpu.region"() ({
        %run_scoped3A = tpu.sem_alloc : memref<!tpu.dma_semaphore, #tpu.memory_space<semaphore_mem>>
        %dma_start3A_189 = arith.constant 0 : i32
        %dma_start3A_190 = arith.constant 0 : i32
        %dma_start3A_191 = tpu.memref_slice %arg14[%dma_start3A_189, %dma_start3A_190] : memref<10000x128xf32, #tpu.memory_space<vmem_shared>> -> memref<10000x128xf32, #tpu.memory_space<vmem_shared>>
        tpu.enqueue_indirect_dma source(%arg7 : memref<100x128xf32, #tpu.memory_space<vmem>>) target(%dma_start3A_191 : memref<10000x128xf32, #tpu.memory_space<vmem_shared>>) offsets(%arg13 : memref<100xi32, #tpu.memory_space<vmem>>) semaphore(%run_scoped3A : memref<!tpu.dma_semaphore, #tpu.memory_space<semaphore_mem>>) {add = true}
        %dma_wait3A_192 = arith.constant 0 : i32
        %dma_wait3A_193 = arith.constant 0 : i32
        %dma_wait3A_194 = tpu.memref_slice %arg14[%dma_wait3A_192, %dma_wait3A_193] : memref<10000x128xf32, #tpu.memory_space<vmem_shared>> -> memref<10000x128xf32, #tpu.memory_space<vmem_shared>>
        tpu.wait_indirect_dma semaphore(%run_scoped3A : memref<!tpu.dma_semaphore, #tpu.memory_space<semaphore_mem>>) src(%arg7 : memref<100x128xf32, #tpu.memory_space<vmem>>) dst(%dma_wait3A_194 : memref<10000x128xf32, #tpu.memory_space<vmem_shared>>)
        tpu.yield
      }) : () -> ()
      %add3A_174 = arith.constant 2 : i32
      %add3A_175 = arith.addi %add3A_142, %add3A_174 : i32
      %lt3A_176 = arith.constant 100 : i32
      %lt3A_177 = arith.cmpi slt, %add3A_175, %lt3A_176 : i32
      %convert_element_type3A_178 = arith.extui %lt3A_177 : i1 to i32
      %cond3A_179 = arith.constant 0 : i32
      %cond3A_180 = arith.cmpi ne, %convert_element_type3A_178, %cond3A_179 : i32
      scf.if %cond3A_180 {
        %add3A_189 = arith.constant 2 : i32
        %add3A_190 = arith.addi %add3A_143, %add3A_189 : i32
        %dma_start3A_191 = arith.constant 0 : i32
        %dma_start3A_192 = tpu.memref_slice %arg3[%add3A_190, %dma_start3A_191] : memref<3200x100xi32, #tpu.memory_space<hbm>> -> memref<1x100xi32, #tpu.memory_space<hbm>>
        %dma_start3A_193 = tpu.memref_squeeze %dma_start3A_192 : memref<1x100xi32, #tpu.memory_space<hbm>> -> memref<100xi32, #tpu.memory_space<hbm>>
        %dma_start3A_194 = arith.constant 0 : i32
        %dma_start3A_195 = tpu.memref_slice %arg3[%add3A_190, %dma_start3A_194] : memref<3200x100xi32, #tpu.memory_space<hbm>> -> memref<1x100xi32, #tpu.memory_space<hbm>>
        %dma_start3A_196 = tpu.memref_squeeze %dma_start3A_195 : memref<1x100xi32, #tpu.memory_space<hbm>> -> memref<100xi32, #tpu.memory_space<hbm>>
        tpu.enqueue_dma source(%dma_start3A_196 : memref<100xi32, #tpu.memory_space<hbm>>) target(%arg11 : memref<100xi32, #tpu.memory_space<vmem>>) target_semaphore(%arg17 : memref<!tpu.dma_semaphore, #tpu.memory_space<semaphore_mem>>)
        %dma_start3A_197 = arith.constant 0 : i32
        %dma_start3A_198 = tpu.memref_slice %arg4[%add3A_190, %dma_start3A_197] : memref<3200x100xi32, #tpu.memory_space<hbm>> -> memref<1x100xi32, #tpu.memory_space<hbm>>
        %dma_start3A_199 = tpu.memref_squeeze %dma_start3A_198 : memref<1x100xi32, #tpu.memory_space<hbm>> -> memref<100xi32, #tpu.memory_space<hbm>>
        %dma_start3A_200 = arith.constant 0 : i32
        %dma_start3A_201 = tpu.memref_slice %arg4[%add3A_190, %dma_start3A_200] : memref<3200x100xi32, #tpu.memory_space<hbm>> -> memref<1x100xi32, #tpu.memory_space<hbm>>
        %dma_start3A_202 = tpu.memref_squeeze %dma_start3A_201 : memref<1x100xi32, #tpu.memory_space<hbm>> -> memref<100xi32, #tpu.memory_space<hbm>>
        tpu.enqueue_dma source(%dma_start3A_202 : memref<100xi32, #tpu.memory_space<hbm>>) target(%arg13 : memref<100xi32, #tpu.memory_space<vmem>>) target_semaphore(%arg17 : memref<!tpu.dma_semaphore, #tpu.memory_space<semaphore_mem>>)
      } else {
      }
      %add3A_181 = arith.constant 1 : i32
      %add3A_182 = arith.addi %add3A_142, %add3A_181 : i32
      %lt3A_183 = arith.constant 100 : i32
      %lt3A_184 = arith.cmpi slt, %add3A_182, %lt3A_183 : i32
      %convert_element_type3A_185 = arith.extui %lt3A_184 : i1 to i32
      %cond3A_186 = arith.constant 0 : i32
      %cond3A_187 = arith.cmpi ne, %convert_element_type3A_185, %cond3A_186 : i32
      scf.if %cond3A_187 {
        %add3A_189 = arith.constant 1 : i32
        %add3A_190 = arith.addi %add3A_143, %add3A_189 : i32
        %mul3A_191 = arith.constant 100 : i32
        %mul3A_192 = arith.muli %add3A_190, %mul3A_191 : i32
        %dma_start3A_193 = arith.constant 0 : i32
        %dma_start3A_194 = tpu.memref_slice %arg2[%mul3A_192, %dma_start3A_193] : memref<320000x128xf32, #tpu.memory_space<hbm>> -> memref<100x128xf32, #tpu.memory_space<hbm>>
        %dma_start3A_195 = arith.constant 0 : i32
        %dma_start3A_196 = tpu.memref_slice %arg2[%mul3A_192, %dma_start3A_195] : memref<320000x128xf32, #tpu.memory_space<hbm>> -> memref<100x128xf32, #tpu.memory_space<hbm>>
        tpu.enqueue_dma source(%dma_start3A_196 : memref<100x128xf32, #tpu.memory_space<hbm>>) target(%arg7 : memref<100x128xf32, #tpu.memory_space<vmem>>) target_semaphore(%arg15 : memref<!tpu.dma_semaphore, #tpu.memory_space<semaphore_mem>>)
      } else {
      }
      %scan3A_188 = arith.constant 0 : i32
      scf.yield %scan3A_188 : i32
    }
    %scan3A_89 = arith.constant 50 : i32
    %barrier3A_90 = arith.constant 0 : index
    tpu.barrier barrier_id(%barrier3A_90)
    %mul3A_91 = arith.constant 625 : i32
    %mul3A_92 = arith.muli %arg1, %mul3A_91 : i32
    "tpu.region"() ({
      %run_scoped3A = tpu.sem_alloc : memref<!tpu.dma_semaphore, #tpu.memory_space<semaphore_mem>>
      %dma_start3A_93 = arith.constant 0 : i32
      %dma_start3A_94 = tpu.memref_slice %arg6[%arg0, %mul3A_92, %dma_start3A_93] : memref<2x10000x128xf32, #tpu.memory_space<hbm>> -> memref<1x625x128xf32, #tpu.memory_space<hbm>>
      %dma_start3A_95 = tpu.memref_squeeze %dma_start3A_94 : memref<1x625x128xf32, #tpu.memory_space<hbm>> -> memref<625x128xf32, #tpu.memory_space<hbm>>
      %dma_start3A_96 = arith.constant 0 : i32
      %dma_start3A_97 = tpu.memref_slice %arg14[%mul3A_92, %dma_start3A_96] : memref<10000x128xf32, #tpu.memory_space<vmem_shared>> -> memref<625x128xf32, #tpu.memory_space<vmem_shared>>
      tpu.enqueue_dma source(%dma_start3A_97 : memref<625x128xf32, #tpu.memory_space<vmem_shared>>) target(%dma_start3A_95 : memref<625x128xf32, #tpu.memory_space<hbm>>) target_semaphore(%run_scoped3A : memref<!tpu.dma_semaphore, #tpu.memory_space<semaphore_mem>>)
      %dma_wait3A_98 = arith.constant 0 : i32
      %dma_wait3A_99 = tpu.memref_slice %arg6[%arg0, %mul3A_92, %dma_wait3A_98] : memref<2x10000x128xf32, #tpu.memory_space<hbm>> -> memref<1x625x128xf32, #tpu.memory_space<hbm>>
      %dma_wait3A_100 = tpu.memref_squeeze %dma_wait3A_99 : memref<1x625x128xf32, #tpu.memory_space<hbm>> -> memref<625x128xf32, #tpu.memory_space<hbm>>
      %dma_wait3A_101 = arith.constant 0 : i32
      %dma_wait3A_102 = tpu.memref_slice %arg14[%mul3A_92, %dma_wait3A_101] : memref<10000x128xf32, #tpu.memory_space<vmem_shared>> -> memref<625x128xf32, #tpu.memory_space<vmem_shared>>
      tpu.wait_dma2 semaphore(%run_scoped3A : memref<!tpu.dma_semaphore, #tpu.memory_space<semaphore_mem>>) src(%dma_wait3A_102 : memref<625x128xf32, #tpu.memory_space<vmem_shared>>) dst(%dma_wait3A_100 : memref<625x128xf32, #tpu.memory_space<hbm>>)
      tpu.yield
    }) : () -> ()
    return
  }
}

#map = affine_map<(d0, d1) -> (0, 0, 0)>
#map1 = affine_map<(d0, d1) -> (0, 0)>
module attributes {stable_mosaic.version = 14 : i64} {
  func.func @_sc_segsum(%arg0: i32, %arg1: i32, %arg2: memref<2x320000x128xf32, #tpu.memory_space<hbm>>, %arg3: memref<3200x100xi32, #tpu.memory_space<hbm>>, %arg4: memref<2x10000x128xf32, #tpu.memory_space<hbm>>, %arg5: memref<100x128xf32, #tpu.memory_space<vmem>>, %arg6: memref<100x128xf32, #tpu.memory_space<vmem>>, %arg7: memref<100xi32, #tpu.memory_space<vmem>>, %arg8: memref<100xi32, #tpu.memory_space<vmem>>, %arg9: memref<10000x128xf32, #tpu.memory_space<vmem_shared>>, %arg10: memref<!tpu.dma_semaphore, #tpu.memory_space<semaphore_mem>>, %arg11: memref<!tpu.dma_semaphore, #tpu.memory_space<semaphore_mem>>) attributes {dimension_semantics = [#tpu.dimension_semantics<core_parallel>, #tpu.dimension_semantics<subcore_parallel>], iteration_bounds = array<i64: 2, 16>, scalar_prefetch = 0 : i64, scratch_operands = 7 : i64, tpu.core_type = #tpu.core_type<sc_vector_subcore>, window_params = [{transform_indices = #map}, {transform_indices = #map1}, {transform_indices = #map}]} {
    %broadcast_in_dim3A = arith.constant 0.000000e+00 : f32
    %broadcast_in_dim3A_0 = vector.broadcast %broadcast_in_dim3A : f32 to vector<16xf32>
    %scan3A = arith.constant 0 : i32
    %scan3A_1 = arith.constant 0 : i32
    %scan3A_2 = arith.constant 100 : i32
    %scan3A_3 = arith.addi %scan3A_1, %scan3A_2 : i32
    %scan3A_4 = arith.constant 1 : i32
    %scan3A_5 = scf.for %scan3A_62 = %scan3A_1 to %scan3A_3 step %scan3A_4 iter_args(%scan3A_63 = %scan3A) -> (i32)  : i32 {
      %swap3A = arith.index_cast %scan3A_62 : i32 to index
      %swap3A_64 = arith.constant 0 : index
      %swap3A_65 = tpu.vector_load %arg5[%swap3A, %swap3A_64] {strides = array<i32>} : memref<100x128xf32, #tpu.memory_space<vmem>>, vector<1x16xf32>,
      %swap3A_66 = vector.shape_cast %swap3A_65 : vector<1x16xf32> to vector<16xf32>
      %swap3A_67 = vector.shape_cast %broadcast_in_dim3A_0 : vector<16xf32> to vector<1x16xf32>
      tpu.vector_store %arg5[%swap3A, %swap3A_64], %swap3A_67 {strides = array<i32>} : memref<100x128xf32, #tpu.memory_space<vmem>>, vector<1x16xf32>,
      %swap3A_68 = arith.index_cast %scan3A_62 : i32 to index
      %swap3A_69 = arith.constant 16 : index
      %swap3A_70 = tpu.vector_load %arg5[%swap3A_68, %swap3A_69] {strides = array<i32>} : memref<100x128xf32, #tpu.memory_space<vmem>>, vector<1x16xf32>,
      %swap3A_71 = vector.shape_cast %swap3A_70 : vector<1x16xf32> to vector<16xf32>
      %swap3A_72 = vector.shape_cast %broadcast_in_dim3A_0 : vector<16xf32> to vector<1x16xf32>
      tpu.vector_store %arg5[%swap3A_68, %swap3A_69], %swap3A_72 {strides = array<i32>} : memref<100x128xf32, #tpu.memory_space<vmem>>, vector<1x16xf32>,
      %swap3A_73 = arith.index_cast %scan3A_62 : i32 to index
      %swap3A_74 = arith.constant 32 : index
      %swap3A_75 = tpu.vector_load %arg5[%swap3A_73, %swap3A_74] {strides = array<i32>} : memref<100x128xf32, #tpu.memory_space<vmem>>, vector<1x16xf32>,
      %swap3A_76 = vector.shape_cast %swap3A_75 : vector<1x16xf32> to vector<16xf32>
      %swap3A_77 = vector.shape_cast %broadcast_in_dim3A_0 : vector<16xf32> to vector<1x16xf32>
      tpu.vector_store %arg5[%swap3A_73, %swap3A_74], %swap3A_77 {strides = array<i32>} : memref<100x128xf32, #tpu.memory_space<vmem>>, vector<1x16xf32>,
      %swap3A_78 = arith.index_cast %scan3A_62 : i32 to index
      %swap3A_79 = arith.constant 48 : index
      %swap3A_80 = tpu.vector_load %arg5[%swap3A_78, %swap3A_79] {strides = array<i32>} : memref<100x128xf32, #tpu.memory_space<vmem>>, vector<1x16xf32>,
      %swap3A_81 = vector.shape_cast %swap3A_80 : vector<1x16xf32> to vector<16xf32>
      %swap3A_82 = vector.shape_cast %broadcast_in_dim3A_0 : vector<16xf32> to vector<1x16xf32>
      tpu.vector_store %arg5[%swap3A_78, %swap3A_79], %swap3A_82 {strides = array<i32>} : memref<100x128xf32, #tpu.memory_space<vmem>>, vector<1x16xf32>,
      %swap3A_83 = arith.index_cast %scan3A_62 : i32 to index
      %swap3A_84 = arith.constant 64 : index
      %swap3A_85 = tpu.vector_load %arg5[%swap3A_83, %swap3A_84] {strides = array<i32>} : memref<100x128xf32, #tpu.memory_space<vmem>>, vector<1x16xf32>,
      %swap3A_86 = vector.shape_cast %swap3A_85 : vector<1x16xf32> to vector<16xf32>
      %swap3A_87 = vector.shape_cast %broadcast_in_dim3A_0 : vector<16xf32> to vector<1x16xf32>
      tpu.vector_store %arg5[%swap3A_83, %swap3A_84], %swap3A_87 {strides = array<i32>} : memref<100x128xf32, #tpu.memory_space<vmem>>, vector<1x16xf32>,
      %swap3A_88 = arith.index_cast %scan3A_62 : i32 to index
      %swap3A_89 = arith.constant 80 : index
      %swap3A_90 = tpu.vector_load %arg5[%swap3A_88, %swap3A_89] {strides = array<i32>} : memref<100x128xf32, #tpu.memory_space<vmem>>, vector<1x16xf32>,
      %swap3A_91 = vector.shape_cast %swap3A_90 : vector<1x16xf32> to vector<16xf32>
      %swap3A_92 = vector.shape_cast %broadcast_in_dim3A_0 : vector<16xf32> to vector<1x16xf32>
      tpu.vector_store %arg5[%swap3A_88, %swap3A_89], %swap3A_92 {strides = array<i32>} : memref<100x128xf32, #tpu.memory_space<vmem>>, vector<1x16xf32>,
      %swap3A_93 = arith.index_cast %scan3A_62 : i32 to index
      %swap3A_94 = arith.constant 96 : index
      %swap3A_95 = tpu.vector_load %arg5[%swap3A_93, %swap3A_94] {strides = array<i32>} : memref<100x128xf32, #tpu.memory_space<vmem>>, vector<1x16xf32>,
      %swap3A_96 = vector.shape_cast %swap3A_95 : vector<1x16xf32> to vector<16xf32>
      %swap3A_97 = vector.shape_cast %broadcast_in_dim3A_0 : vector<16xf32> to vector<1x16xf32>
      tpu.vector_store %arg5[%swap3A_93, %swap3A_94], %swap3A_97 {strides = array<i32>} : memref<100x128xf32, #tpu.memory_space<vmem>>, vector<1x16xf32>,
      %swap3A_98 = arith.index_cast %scan3A_62 : i32 to index
      %swap3A_99 = arith.constant 112 : index
      %swap3A_100 = tpu.vector_load %arg5[%swap3A_98, %swap3A_99] {strides = array<i32>} : memref<100x128xf32, #tpu.memory_space<vmem>>, vector<1x16xf32>,
      %swap3A_101 = vector.shape_cast %swap3A_100 : vector<1x16xf32> to vector<16xf32>
      %swap3A_102 = vector.shape_cast %broadcast_in_dim3A_0 : vector<16xf32> to vector<1x16xf32>
      tpu.vector_store %arg5[%swap3A_98, %swap3A_99], %swap3A_102 {strides = array<i32>} : memref<100x128xf32, #tpu.memory_space<vmem>>, vector<1x16xf32>,
      %scan3A_103 = arith.constant 0 : i32
      scf.yield %scan3A_103 : i32
    }
    %scan3A_6 = arith.constant 100 : i32
    %mul3A = arith.constant 625 : i32
    %mul3A_7 = arith.muli %arg1, %mul3A : i32
    %add3A = arith.constant 0 : i32
    %add3A_8 = arith.addi %mul3A_7, %add3A : i32
    "tpu.region"() ({
      %run_scoped3A = tpu.sem_alloc : memref<!tpu.dma_semaphore, #tpu.memory_space<semaphore_mem>>
      %dma_start3A_62 = arith.constant 0 : i32
      %dma_start3A_63 = tpu.memref_slice %arg9[%add3A_8, %dma_start3A_62] : memref<10000x128xf32, #tpu.memory_space<vmem_shared>> -> memref<100x128xf32, #tpu.memory_space<vmem_shared>>
      %dma_start3A_64 = arith.constant 0 : i32
      %dma_start3A_65 = tpu.memref_slice %arg9[%add3A_8, %dma_start3A_64] : memref<10000x128xf32, #tpu.memory_space<vmem_shared>> -> memref<100x128xf32, #tpu.memory_space<vmem_shared>>
      tpu.enqueue_dma source(%arg5 : memref<100x128xf32, #tpu.memory_space<vmem>>) target(%dma_start3A_65 : memref<100x128xf32, #tpu.memory_space<vmem_shared>>) target_semaphore(%run_scoped3A : memref<!tpu.dma_semaphore, #tpu.memory_space<semaphore_mem>>)
      %dma_wait3A = arith.constant 0 : i32
      %dma_wait3A_66 = tpu.memref_slice %arg9[%add3A_8, %dma_wait3A] : memref<10000x128xf32, #tpu.memory_space<vmem_shared>> -> memref<100x128xf32, #tpu.memory_space<vmem_shared>>
      %dma_wait3A_67 = arith.constant 0 : i32
      %dma_wait3A_68 = tpu.memref_slice %arg9[%add3A_8, %dma_wait3A_67] : memref<10000x128xf32, #tpu.memory_space<vmem_shared>> -> memref<100x128xf32, #tpu.memory_space<vmem_shared>>
      tpu.wait_dma2 semaphore(%run_scoped3A : memref<!tpu.dma_semaphore, #tpu.memory_space<semaphore_mem>>) src(%arg5 : memref<100x128xf32, #tpu.memory_space<vmem>>) dst(%dma_wait3A_68 : memref<100x128xf32, #tpu.memory_space<vmem_shared>>)
      tpu.yield
    }) : () -> ()
    %mul3A_9 = arith.constant 625 : i32
    %mul3A_10 = arith.muli %arg1, %mul3A_9 : i32
    %add3A_11 = arith.constant 100 : i32
    %add3A_12 = arith.addi %mul3A_10, %add3A_11 : i32
    "tpu.region"() ({
      %run_scoped3A = tpu.sem_alloc : memref<!tpu.dma_semaphore, #tpu.memory_space<semaphore_mem>>
      %dma_start3A_62 = arith.constant 0 : i32
      %dma_start3A_63 = tpu.memref_slice %arg9[%add3A_12, %dma_start3A_62] : memref<10000x128xf32, #tpu.memory_space<vmem_shared>> -> memref<100x128xf32, #tpu.memory_space<vmem_shared>>
      %dma_start3A_64 = arith.constant 0 : i32
      %dma_start3A_65 = tpu.memref_slice %arg9[%add3A_12, %dma_start3A_64] : memref<10000x128xf32, #tpu.memory_space<vmem_shared>> -> memref<100x128xf32, #tpu.memory_space<vmem_shared>>
      tpu.enqueue_dma source(%arg5 : memref<100x128xf32, #tpu.memory_space<vmem>>) target(%dma_start3A_65 : memref<100x128xf32, #tpu.memory_space<vmem_shared>>) target_semaphore(%run_scoped3A : memref<!tpu.dma_semaphore, #tpu.memory_space<semaphore_mem>>)
      %dma_wait3A = arith.constant 0 : i32
      %dma_wait3A_66 = tpu.memref_slice %arg9[%add3A_12, %dma_wait3A] : memref<10000x128xf32, #tpu.memory_space<vmem_shared>> -> memref<100x128xf32, #tpu.memory_space<vmem_shared>>
      %dma_wait3A_67 = arith.constant 0 : i32
      %dma_wait3A_68 = tpu.memref_slice %arg9[%add3A_12, %dma_wait3A_67] : memref<10000x128xf32, #tpu.memory_space<vmem_shared>> -> memref<100x128xf32, #tpu.memory_space<vmem_shared>>
      tpu.wait_dma2 semaphore(%run_scoped3A : memref<!tpu.dma_semaphore, #tpu.memory_space<semaphore_mem>>) src(%arg5 : memref<100x128xf32, #tpu.memory_space<vmem>>) dst(%dma_wait3A_68 : memref<100x128xf32, #tpu.memory_space<vmem_shared>>)
      tpu.yield
    }) : () -> ()
    %mul3A_13 = arith.constant 625 : i32
    %mul3A_14 = arith.muli %arg1, %mul3A_13 : i32
    %add3A_15 = arith.constant 200 : i32
    %add3A_16 = arith.addi %mul3A_14, %add3A_15 : i32
    "tpu.region"() ({
      %run_scoped3A = tpu.sem_alloc : memref<!tpu.dma_semaphore, #tpu.memory_space<semaphore_mem>>
      %dma_start3A_62 = arith.constant 0 : i32
      %dma_start3A_63 = tpu.memref_slice %arg9[%add3A_16, %dma_start3A_62] : memref<10000x128xf32, #tpu.memory_space<vmem_shared>> -> memref<100x128xf32, #tpu.memory_space<vmem_shared>>
      %dma_start3A_64 = arith.constant 0 : i32
      %dma_start3A_65 = tpu.memref_slice %arg9[%add3A_16, %dma_start3A_64] : memref<10000x128xf32, #tpu.memory_space<vmem_shared>> -> memref<100x128xf32, #tpu.memory_space<vmem_shared>>
      tpu.enqueue_dma source(%arg5 : memref<100x128xf32, #tpu.memory_space<vmem>>) target(%dma_start3A_65 : memref<100x128xf32, #tpu.memory_space<vmem_shared>>) target_semaphore(%run_scoped3A : memref<!tpu.dma_semaphore, #tpu.memory_space<semaphore_mem>>)
      %dma_wait3A = arith.constant 0 : i32
      %dma_wait3A_66 = tpu.memref_slice %arg9[%add3A_16, %dma_wait3A] : memref<10000x128xf32, #tpu.memory_space<vmem_shared>> -> memref<100x128xf32, #tpu.memory_space<vmem_shared>>
      %dma_wait3A_67 = arith.constant 0 : i32
      %dma_wait3A_68 = tpu.memref_slice %arg9[%add3A_16, %dma_wait3A_67] : memref<10000x128xf32, #tpu.memory_space<vmem_shared>> -> memref<100x128xf32, #tpu.memory_space<vmem_shared>>
      tpu.wait_dma2 semaphore(%run_scoped3A : memref<!tpu.dma_semaphore, #tpu.memory_space<semaphore_mem>>) src(%arg5 : memref<100x128xf32, #tpu.memory_space<vmem>>) dst(%dma_wait3A_68 : memref<100x128xf32, #tpu.memory_space<vmem_shared>>)
      tpu.yield
    }) : () -> ()
    %mul3A_17 = arith.constant 625 : i32
    %mul3A_18 = arith.muli %arg1, %mul3A_17 : i32
    %add3A_19 = arith.constant 300 : i32
    %add3A_20 = arith.addi %mul3A_18, %add3A_19 : i32
    "tpu.region"() ({
      %run_scoped3A = tpu.sem_alloc : memref<!tpu.dma_semaphore, #tpu.memory_space<semaphore_mem>>
      %dma_start3A_62 = arith.constant 0 : i32
      %dma_start3A_63 = tpu.memref_slice %arg9[%add3A_20, %dma_start3A_62] : memref<10000x128xf32, #tpu.memory_space<vmem_shared>> -> memref<100x128xf32, #tpu.memory_space<vmem_shared>>
      %dma_start3A_64 = arith.constant 0 : i32
      %dma_start3A_65 = tpu.memref_slice %arg9[%add3A_20, %dma_start3A_64] : memref<10000x128xf32, #tpu.memory_space<vmem_shared>> -> memref<100x128xf32, #tpu.memory_space<vmem_shared>>
      tpu.enqueue_dma source(%arg5 : memref<100x128xf32, #tpu.memory_space<vmem>>) target(%dma_start3A_65 : memref<100x128xf32, #tpu.memory_space<vmem_shared>>) target_semaphore(%run_scoped3A : memref<!tpu.dma_semaphore, #tpu.memory_space<semaphore_mem>>)
      %dma_wait3A = arith.constant 0 : i32
      %dma_wait3A_66 = tpu.memref_slice %arg9[%add3A_20, %dma_wait3A] : memref<10000x128xf32, #tpu.memory_space<vmem_shared>> -> memref<100x128xf32, #tpu.memory_space<vmem_shared>>
      %dma_wait3A_67 = arith.constant 0 : i32
      %dma_wait3A_68 = tpu.memref_slice %arg9[%add3A_20, %dma_wait3A_67] : memref<10000x128xf32, #tpu.memory_space<vmem_shared>> -> memref<100x128xf32, #tpu.memory_space<vmem_shared>>
      tpu.wait_dma2 semaphore(%run_scoped3A : memref<!tpu.dma_semaphore, #tpu.memory_space<semaphore_mem>>) src(%arg5 : memref<100x128xf32, #tpu.memory_space<vmem>>) dst(%dma_wait3A_68 : memref<100x128xf32, #tpu.memory_space<vmem_shared>>)
      tpu.yield
    }) : () -> ()
    %mul3A_21 = arith.constant 625 : i32
    %mul3A_22 = arith.muli %arg1, %mul3A_21 : i32
    %add3A_23 = arith.constant 400 : i32
    %add3A_24 = arith.addi %mul3A_22, %add3A_23 : i32
    "tpu.region"() ({
      %run_scoped3A = tpu.sem_alloc : memref<!tpu.dma_semaphore, #tpu.memory_space<semaphore_mem>>
      %dma_start3A_62 = arith.constant 0 : i32
      %dma_start3A_63 = tpu.memref_slice %arg9[%add3A_24, %dma_start3A_62] : memref<10000x128xf32, #tpu.memory_space<vmem_shared>> -> memref<100x128xf32, #tpu.memory_space<vmem_shared>>
      %dma_start3A_64 = arith.constant 0 : i32
      %dma_start3A_65 = tpu.memref_slice %arg9[%add3A_24, %dma_start3A_64] : memref<10000x128xf32, #tpu.memory_space<vmem_shared>> -> memref<100x128xf32, #tpu.memory_space<vmem_shared>>
      tpu.enqueue_dma source(%arg5 : memref<100x128xf32, #tpu.memory_space<vmem>>) target(%dma_start3A_65 : memref<100x128xf32, #tpu.memory_space<vmem_shared>>) target_semaphore(%run_scoped3A : memref<!tpu.dma_semaphore, #tpu.memory_space<semaphore_mem>>)
      %dma_wait3A = arith.constant 0 : i32
      %dma_wait3A_66 = tpu.memref_slice %arg9[%add3A_24, %dma_wait3A] : memref<10000x128xf32, #tpu.memory_space<vmem_shared>> -> memref<100x128xf32, #tpu.memory_space<vmem_shared>>
      %dma_wait3A_67 = arith.constant 0 : i32
      %dma_wait3A_68 = tpu.memref_slice %arg9[%add3A_24, %dma_wait3A_67] : memref<10000x128xf32, #tpu.memory_space<vmem_shared>> -> memref<100x128xf32, #tpu.memory_space<vmem_shared>>
      tpu.wait_dma2 semaphore(%run_scoped3A : memref<!tpu.dma_semaphore, #tpu.memory_space<semaphore_mem>>) src(%arg5 : memref<100x128xf32, #tpu.memory_space<vmem>>) dst(%dma_wait3A_68 : memref<100x128xf32, #tpu.memory_space<vmem_shared>>)
      tpu.yield
    }) : () -> ()
    %mul3A_25 = arith.constant 625 : i32
    %mul3A_26 = arith.muli %arg1, %mul3A_25 : i32
    %add3A_27 = arith.constant 500 : i32
    %add3A_28 = arith.addi %mul3A_26, %add3A_27 : i32
    "tpu.region"() ({
      %run_scoped3A = tpu.sem_alloc : memref<!tpu.dma_semaphore, #tpu.memory_space<semaphore_mem>>
      %dma_start3A_62 = arith.constant 0 : i32
      %dma_start3A_63 = tpu.memref_slice %arg9[%add3A_28, %dma_start3A_62] : memref<10000x128xf32, #tpu.memory_space<vmem_shared>> -> memref<100x128xf32, #tpu.memory_space<vmem_shared>>
      %dma_start3A_64 = arith.constant 0 : i32
      %dma_start3A_65 = tpu.memref_slice %arg9[%add3A_28, %dma_start3A_64] : memref<10000x128xf32, #tpu.memory_space<vmem_shared>> -> memref<100x128xf32, #tpu.memory_space<vmem_shared>>
      tpu.enqueue_dma source(%arg5 : memref<100x128xf32, #tpu.memory_space<vmem>>) target(%dma_start3A_65 : memref<100x128xf32, #tpu.memory_space<vmem_shared>>) target_semaphore(%run_scoped3A : memref<!tpu.dma_semaphore, #tpu.memory_space<semaphore_mem>>)
      %dma_wait3A = arith.constant 0 : i32
      %dma_wait3A_66 = tpu.memref_slice %arg9[%add3A_28, %dma_wait3A] : memref<10000x128xf32, #tpu.memory_space<vmem_shared>> -> memref<100x128xf32, #tpu.memory_space<vmem_shared>>
      %dma_wait3A_67 = arith.constant 0 : i32
      %dma_wait3A_68 = tpu.memref_slice %arg9[%add3A_28, %dma_wait3A_67] : memref<10000x128xf32, #tpu.memory_space<vmem_shared>> -> memref<100x128xf32, #tpu.memory_space<vmem_shared>>
      tpu.wait_dma2 semaphore(%run_scoped3A : memref<!tpu.dma_semaphore, #tpu.memory_space<semaphore_mem>>) src(%arg5 : memref<100x128xf32, #tpu.memory_space<vmem>>) dst(%dma_wait3A_68 : memref<100x128xf32, #tpu.memory_space<vmem_shared>>)
      tpu.yield
    }) : () -> ()
    %mul3A_29 = arith.constant 625 : i32
    %mul3A_30 = arith.muli %arg1, %mul3A_29 : i32
    %add3A_31 = arith.constant 600 : i32
    %add3A_32 = arith.addi %mul3A_30, %add3A_31 : i32
    "tpu.region"() ({
      %run_scoped3A = tpu.sem_alloc : memref<!tpu.dma_semaphore, #tpu.memory_space<semaphore_mem>>
      %dma_start3A_62 = arith.constant 0 : i32
      %dma_start3A_63 = arith.constant 0 : i32
      %dma_start3A_64 = tpu.memref_slice %arg5[%dma_start3A_62, %dma_start3A_63] : memref<100x128xf32, #tpu.memory_space<vmem>> -> memref<25x128xf32, #tpu.memory_space<vmem>>
      %dma_start3A_65 = arith.constant 0 : i32
      %dma_start3A_66 = tpu.memref_slice %arg9[%add3A_32, %dma_start3A_65] : memref<10000x128xf32, #tpu.memory_space<vmem_shared>> -> memref<25x128xf32, #tpu.memory_space<vmem_shared>>
      %dma_start3A_67 = arith.constant 0 : i32
      %dma_start3A_68 = tpu.memref_slice %arg9[%add3A_32, %dma_start3A_67] : memref<10000x128xf32, #tpu.memory_space<vmem_shared>> -> memref<25x128xf32, #tpu.memory_space<vmem_shared>>
      %dma_start3A_69 = arith.constant 0 : i32
      %dma_start3A_70 = arith.constant 0 : i32
      %dma_start3A_71 = tpu.memref_slice %arg5[%dma_start3A_69, %dma_start3A_70] : memref<100x128xf32, #tpu.memory_space<vmem>> -> memref<25x128xf32, #tpu.memory_space<vmem>>
      tpu.enqueue_dma source(%dma_start3A_71 : memref<25x128xf32, #tpu.memory_space<vmem>>) target(%dma_start3A_68 : memref<25x128xf32, #tpu.memory_space<vmem_shared>>) target_semaphore(%run_scoped3A : memref<!tpu.dma_semaphore, #tpu.memory_space<semaphore_mem>>)
      %dma_wait3A = arith.constant 0 : i32
      %dma_wait3A_72 = arith.constant 0 : i32
      %dma_wait3A_73 = tpu.memref_slice %arg5[%dma_wait3A, %dma_wait3A_72] : memref<100x128xf32, #tpu.memory_space<vmem>> -> memref<25x128xf32, #tpu.memory_space<vmem>>
      %dma_wait3A_74 = arith.constant 0 : i32
      %dma_wait3A_75 = tpu.memref_slice %arg9[%add3A_32, %dma_wait3A_74] : memref<10000x128xf32, #tpu.memory_space<vmem_shared>> -> memref<25x128xf32, #tpu.memory_space<vmem_shared>>
      %dma_wait3A_76 = arith.constant 0 : i32
      %dma_wait3A_77 = tpu.memref_slice %arg9[%add3A_32, %dma_wait3A_76] : memref<10000x128xf32, #tpu.memory_space<vmem_shared>> -> memref<25x128xf32, #tpu.memory_space<vmem_shared>>
      %dma_wait3A_78 = arith.constant 0 : i32
      %dma_wait3A_79 = arith.constant 0 : i32
      %dma_wait3A_80 = tpu.memref_slice %arg5[%dma_wait3A_78, %dma_wait3A_79] : memref<100x128xf32, #tpu.memory_space<vmem>> -> memref<25x128xf32, #tpu.memory_space<vmem>>
      tpu.wait_dma2 semaphore(%run_scoped3A : memref<!tpu.dma_semaphore, #tpu.memory_space<semaphore_mem>>) src(%dma_wait3A_80 : memref<25x128xf32, #tpu.memory_space<vmem>>) dst(%dma_wait3A_77 : memref<25x128xf32, #tpu.memory_space<vmem_shared>>)
      tpu.yield
    }) : () -> ()
    %barrier3A = arith.constant 0 : index
    tpu.barrier barrier_id(%barrier3A)
    %mul3A_33 = arith.constant 16 : i32
    %mul3A_34 = arith.muli %arg0, %mul3A_33 : i32
    %add3A_35 = arith.addi %mul3A_34, %arg1 : i32
    %mul3A_36 = arith.constant 100 : i32
    %mul3A_37 = arith.muli %add3A_35, %mul3A_36 : i32
    %mul3A_38 = arith.constant 100 : i32
    %mul3A_39 = arith.muli %mul3A_37, %mul3A_38 : i32
    %dma_start3A = arith.constant 1 : i32
    %dma_start3A_40 = arith.constant 0 : i32
    %dma_start3A_41 = tpu.memref_slice %arg2[%dma_start3A, %mul3A_39, %dma_start3A_40] : memref<2x320000x128xf32, #tpu.memory_space<hbm>> -> memref<1x100x128xf32, #tpu.memory_space<hbm>>
    %dma_start3A_42 = tpu.memref_squeeze %dma_start3A_41 : memref<1x100x128xf32, #tpu.memory_space<hbm>> -> memref<100x128xf32, #tpu.memory_space<hbm>>
    %dma_start3A_43 = arith.constant 0 : i32
    %dma_start3A_44 = tpu.memref_slice %arg2[%dma_start3A, %mul3A_39, %dma_start3A_43] : memref<2x320000x128xf32, #tpu.memory_space<hbm>> -> memref<1x100x128xf32, #tpu.memory_space<hbm>>
    %dma_start3A_45 = tpu.memref_squeeze %dma_start3A_44 : memref<1x100x128xf32, #tpu.memory_space<hbm>> -> memref<100x128xf32, #tpu.memory_space<hbm>>
    tpu.enqueue_dma source(%dma_start3A_45 : memref<100x128xf32, #tpu.memory_space<hbm>>) target(%arg5 : memref<100x128xf32, #tpu.memory_space<vmem>>) target_semaphore(%arg10 : memref<!tpu.dma_semaphore, #tpu.memory_space<semaphore_mem>>)
    %dma_start3A_46 = arith.constant 0 : i32
    %dma_start3A_47 = tpu.memref_slice %arg3[%mul3A_37, %dma_start3A_46] : memref<3200x100xi32, #tpu.memory_space<hbm>> -> memref<1x100xi32, #tpu.memory_space<hbm>>
    %dma_start3A_48 = tpu.memref_squeeze %dma_start3A_47 : memref<1x100xi32, #tpu.memory_space<hbm>> -> memref<100xi32, #tpu.memory_space<hbm>>
    %dma_start3A_49 = arith.constant 0 : i32
    %dma_start3A_50 = tpu.memref_slice %arg3[%mul3A_37, %dma_start3A_49] : memref<3200x100xi32, #tpu.memory_space<hbm>> -> memref<1x100xi32, #tpu.memory_space<hbm>>
    %dma_start3A_51 = tpu.memref_squeeze %dma_start3A_50 : memref<1x100xi32, #tpu.memory_space<hbm>> -> memref<100xi32, #tpu.memory_space<hbm>>
    tpu.enqueue_dma source(%dma_start3A_51 : memref<100xi32, #tpu.memory_space<hbm>>) target(%arg7 : memref<100xi32, #tpu.memory_space<vmem>>) target_semaphore(%arg10 : memref<!tpu.dma_semaphore, #tpu.memory_space<semaphore_mem>>)
    %scan3A_52 = arith.constant 0 : i32
    %scan3A_53 = arith.constant 0 : i32
    %scan3A_54 = arith.constant 50 : i32
    %scan3A_55 = arith.addi %scan3A_53, %scan3A_54 : i32
    %scan3A_56 = arith.constant 1 : i32
    %scan3A_57 = scf.for %scan3A_62 = %scan3A_53 to %scan3A_55 step %scan3A_56 iter_args(%scan3A_63 = %scan3A_52) -> (i32)  : i32 {
      %mul3A_64 = arith.constant 2 : i32
      %mul3A_65 = arith.muli %scan3A_62, %mul3A_64 : i32
      %add3A_66 = arith.addi %mul3A_37, %mul3A_65 : i32
      %mul3A_67 = arith.constant 100 : i32
      %mul3A_68 = arith.muli %add3A_66, %mul3A_67 : i32
      %dma_wait3A = arith.constant 1 : i32
      %dma_wait3A_69 = arith.constant 0 : i32
      %dma_wait3A_70 = tpu.memref_slice %arg2[%dma_wait3A, %mul3A_68, %dma_wait3A_69] : memref<2x320000x128xf32, #tpu.memory_space<hbm>> -> memref<1x100x128xf32, #tpu.memory_space<hbm>>
      %dma_wait3A_71 = tpu.memref_squeeze %dma_wait3A_70 : memref<1x100x128xf32, #tpu.memory_space<hbm>> -> memref<100x128xf32, #tpu.memory_space<hbm>>
      %dma_wait3A_72 = arith.constant 0 : i32
      %dma_wait3A_73 = tpu.memref_slice %arg2[%dma_wait3A, %mul3A_68, %dma_wait3A_72] : memref<2x320000x128xf32, #tpu.memory_space<hbm>> -> memref<1x100x128xf32, #tpu.memory_space<hbm>>
      %dma_wait3A_74 = tpu.memref_squeeze %dma_wait3A_73 : memref<1x100x128xf32, #tpu.memory_space<hbm>> -> memref<100x128xf32, #tpu.memory_space<hbm>>
      tpu.wait_dma2 semaphore(%arg10 : memref<!tpu.dma_semaphore, #tpu.memory_space<semaphore_mem>>) src(%dma_wait3A_74 : memref<100x128xf32, #tpu.memory_space<hbm>>) dst(%arg5 : memref<100x128xf32, #tpu.memory_space<vmem>>)
      %dma_wait3A_75 = arith.constant 0 : i32
      %dma_wait3A_76 = tpu.memref_slice %arg3[%add3A_66, %dma_wait3A_75] : memref<3200x100xi32, #tpu.memory_space<hbm>> -> memref<1x100xi32, #tpu.memory_space<hbm>>
      %dma_wait3A_77 = tpu.memref_squeeze %dma_wait3A_76 : memref<1x100xi32, #tpu.memory_space<hbm>> -> memref<100xi32, #tpu.memory_space<hbm>>
      %dma_wait3A_78 = arith.constant 0 : i32
      %dma_wait3A_79 = tpu.memref_slice %arg3[%add3A_66, %dma_wait3A_78] : memref<3200x100xi32, #tpu.memory_space<hbm>> -> memref<1x100xi32, #tpu.memory_space<hbm>>
      %dma_wait3A_80 = tpu.memref_squeeze %dma_wait3A_79 : memref<1x100xi32, #tpu.memory_space<hbm>> -> memref<100xi32, #tpu.memory_space<hbm>>
      tpu.wait_dma2 semaphore(%arg10 : memref<!tpu.dma_semaphore, #tpu.memory_space<semaphore_mem>>) src(%dma_wait3A_80 : memref<100xi32, #tpu.memory_space<hbm>>) dst(%arg7 : memref<100xi32, #tpu.memory_space<vmem>>)
      %add3A_81 = arith.constant 1 : i32
      %add3A_82 = arith.addi %mul3A_65, %add3A_81 : i32
      %lt3A = arith.constant 100 : i32
      %lt3A_83 = arith.cmpi slt, %add3A_82, %lt3A : i32
      %convert_element_type3A = arith.extui %lt3A_83 : i1 to i32
      %cond3A = arith.constant 0 : i32
      %cond3A_84 = arith.cmpi ne, %convert_element_type3A, %cond3A : i32
      scf.if %cond3A_84 {
        %add3A_113 = arith.constant 1 : i32
        %add3A_114 = arith.addi %add3A_66, %add3A_113 : i32
        %mul3A_115 = arith.constant 100 : i32
        %mul3A_116 = arith.muli %add3A_114, %mul3A_115 : i32
        %dma_start3A_117 = arith.constant 1 : i32
        %dma_start3A_118 = arith.constant 0 : i32
        %dma_start3A_119 = tpu.memref_slice %arg2[%dma_start3A_117, %mul3A_116, %dma_start3A_118] : memref<2x320000x128xf32, #tpu.memory_space<hbm>> -> memref<1x100x128xf32, #tpu.memory_space<hbm>>
        %dma_start3A_120 = tpu.memref_squeeze %dma_start3A_119 : memref<1x100x128xf32, #tpu.memory_space<hbm>> -> memref<100x128xf32, #tpu.memory_space<hbm>>
        %dma_start3A_121 = arith.constant 0 : i32
        %dma_start3A_122 = tpu.memref_slice %arg2[%dma_start3A_117, %mul3A_116, %dma_start3A_121] : memref<2x320000x128xf32, #tpu.memory_space<hbm>> -> memref<1x100x128xf32, #tpu.memory_space<hbm>>
        %dma_start3A_123 = tpu.memref_squeeze %dma_start3A_122 : memref<1x100x128xf32, #tpu.memory_space<hbm>> -> memref<100x128xf32, #tpu.memory_space<hbm>>
        tpu.enqueue_dma source(%dma_start3A_123 : memref<100x128xf32, #tpu.memory_space<hbm>>) target(%arg6 : memref<100x128xf32, #tpu.memory_space<vmem>>) target_semaphore(%arg11 : memref<!tpu.dma_semaphore, #tpu.memory_space<semaphore_mem>>)
        %dma_start3A_124 = arith.constant 0 : i32
        %dma_start3A_125 = tpu.memref_slice %arg3[%add3A_114, %dma_start3A_124] : memref<3200x100xi32, #tpu.memory_space<hbm>> -> memref<1x100xi32, #tpu.memory_space<hbm>>
        %dma_start3A_126 = tpu.memref_squeeze %dma_start3A_125 : memref<1x100xi32, #tpu.memory_space<hbm>> -> memref<100xi32, #tpu.memory_space<hbm>>
        %dma_start3A_127 = arith.constant 0 : i32
        %dma_start3A_128 = tpu.memref_slice %arg3[%add3A_114, %dma_start3A_127] : memref<3200x100xi32, #tpu.memory_space<hbm>> -> memref<1x100xi32, #tpu.memory_space<hbm>>
        %dma_start3A_129 = tpu.memref_squeeze %dma_start3A_128 : memref<1x100xi32, #tpu.memory_space<hbm>> -> memref<100xi32, #tpu.memory_space<hbm>>
        tpu.enqueue_dma source(%dma_start3A_129 : memref<100xi32, #tpu.memory_space<hbm>>) target(%arg8 : memref<100xi32, #tpu.memory_space<vmem>>) target_semaphore(%arg11 : memref<!tpu.dma_semaphore, #tpu.memory_space<semaphore_mem>>)
      } else {
      }
      "tpu.region"() ({
        %run_scoped3A = tpu.sem_alloc : memref<!tpu.dma_semaphore, #tpu.memory_space<semaphore_mem>>
        %dma_start3A_113 = arith.constant 0 : i32
        %dma_start3A_114 = arith.constant 0 : i32
        %dma_start3A_115 = tpu.memref_slice %arg9[%dma_start3A_113, %dma_start3A_114] : memref<10000x128xf32, #tpu.memory_space<vmem_shared>> -> memref<10000x128xf32, #tpu.memory_space<vmem_shared>>
        tpu.enqueue_indirect_dma source(%arg5 : memref<100x128xf32, #tpu.memory_space<vmem>>) target(%dma_start3A_115 : memref<10000x128xf32, #tpu.memory_space<vmem_shared>>) offsets(%arg7 : memref<100xi32, #tpu.memory_space<vmem>>) semaphore(%run_scoped3A : memref<!tpu.dma_semaphore, #tpu.memory_space<semaphore_mem>>) {add = true}
        %dma_wait3A_116 = arith.constant 0 : i32
        %dma_wait3A_117 = arith.constant 0 : i32
        %dma_wait3A_118 = tpu.memref_slice %arg9[%dma_wait3A_116, %dma_wait3A_117] : memref<10000x128xf32, #tpu.memory_space<vmem_shared>> -> memref<10000x128xf32, #tpu.memory_space<vmem_shared>>
        tpu.wait_indirect_dma semaphore(%run_scoped3A : memref<!tpu.dma_semaphore, #tpu.memory_space<semaphore_mem>>) src(%arg5 : memref<100x128xf32, #tpu.memory_space<vmem>>) dst(%dma_wait3A_118 : memref<10000x128xf32, #tpu.memory_space<vmem_shared>>)
        tpu.yield
      }) : () -> ()
      %mul3A_85 = arith.constant 2 : i32
      %mul3A_86 = arith.muli %scan3A_62, %mul3A_85 : i32
      %add3A_87 = arith.constant 1 : i32
      %add3A_88 = arith.addi %mul3A_86, %add3A_87 : i32
      %add3A_89 = arith.addi %mul3A_37, %add3A_88 : i32
      %mul3A_90 = arith.constant 100 : i32
      %mul3A_91 = arith.muli %add3A_89, %mul3A_90 : i32
      %dma_wait3A_92 = arith.constant 1 : i32
      %dma_wait3A_93 = arith.constant 0 : i32
      %dma_wait3A_94 = tpu.memref_slice %arg2[%dma_wait3A_92, %mul3A_91, %dma_wait3A_93] : memref<2x320000x128xf32, #tpu.memory_space<hbm>> -> memref<1x100x128xf32, #tpu.memory_space<hbm>>
      %dma_wait3A_95 = tpu.memref_squeeze %dma_wait3A_94 : memref<1x100x128xf32, #tpu.memory_space<hbm>> -> memref<100x128xf32, #tpu.memory_space<hbm>>
      %dma_wait3A_96 = arith.constant 0 : i32
      %dma_wait3A_97 = tpu.memref_slice %arg2[%dma_wait3A_92, %mul3A_91, %dma_wait3A_96] : memref<2x320000x128xf32, #tpu.memory_space<hbm>> -> memref<1x100x128xf32, #tpu.memory_space<hbm>>
      %dma_wait3A_98 = tpu.memref_squeeze %dma_wait3A_97 : memref<1x100x128xf32, #tpu.memory_space<hbm>> -> memref<100x128xf32, #tpu.memory_space<hbm>>
      tpu.wait_dma2 semaphore(%arg11 : memref<!tpu.dma_semaphore, #tpu.memory_space<semaphore_mem>>) src(%dma_wait3A_98 : memref<100x128xf32, #tpu.memory_space<hbm>>) dst(%arg6 : memref<100x128xf32, #tpu.memory_space<vmem>>)
      %dma_wait3A_99 = arith.constant 0 : i32
      %dma_wait3A_100 = tpu.memref_slice %arg3[%add3A_89, %dma_wait3A_99] : memref<3200x100xi32, #tpu.memory_space<hbm>> -> memref<1x100xi32, #tpu.memory_space<hbm>>
      %dma_wait3A_101 = tpu.memref_squeeze %dma_wait3A_100 : memref<1x100xi32, #tpu.memory_space<hbm>> -> memref<100xi32, #tpu.memory_space<hbm>>
      %dma_wait3A_102 = arith.constant 0 : i32
      %dma_wait3A_103 = tpu.memref_slice %arg3[%add3A_89, %dma_wait3A_102] : memref<3200x100xi32, #tpu.memory_space<hbm>> -> memref<1x100xi32, #tpu.memory_space<hbm>>
      %dma_wait3A_104 = tpu.memref_squeeze %dma_wait3A_103 : memref<1x100xi32, #tpu.memory_space<hbm>> -> memref<100xi32, #tpu.memory_space<hbm>>
      tpu.wait_dma2 semaphore(%arg11 : memref<!tpu.dma_semaphore, #tpu.memory_space<semaphore_mem>>) src(%dma_wait3A_104 : memref<100xi32, #tpu.memory_space<hbm>>) dst(%arg8 : memref<100xi32, #tpu.memory_space<vmem>>)
      %add3A_105 = arith.constant 1 : i32
      %add3A_106 = arith.addi %add3A_88, %add3A_105 : i32
      %lt3A_107 = arith.constant 100 : i32
      %lt3A_108 = arith.cmpi slt, %add3A_106, %lt3A_107 : i32
      %convert_element_type3A_109 = arith.extui %lt3A_108 : i1 to i32
      %cond3A_110 = arith.constant 0 : i32
      %cond3A_111 = arith.cmpi ne, %convert_element_type3A_109, %cond3A_110 : i32
      scf.if %cond3A_111 {
        %add3A_113 = arith.constant 1 : i32
        %add3A_114 = arith.addi %add3A_89, %add3A_113 : i32
        %mul3A_115 = arith.constant 100 : i32
        %mul3A_116 = arith.muli %add3A_114, %mul3A_115 : i32
        %dma_start3A_117 = arith.constant 1 : i32
        %dma_start3A_118 = arith.constant 0 : i32
        %dma_start3A_119 = tpu.memref_slice %arg2[%dma_start3A_117, %mul3A_116, %dma_start3A_118] : memref<2x320000x128xf32, #tpu.memory_space<hbm>> -> memref<1x100x128xf32, #tpu.memory_space<hbm>>
        %dma_start3A_120 = tpu.memref_squeeze %dma_start3A_119 : memref<1x100x128xf32, #tpu.memory_space<hbm>> -> memref<100x128xf32, #tpu.memory_space<hbm>>
        %dma_start3A_121 = arith.constant 0 : i32
        %dma_start3A_122 = tpu.memref_slice %arg2[%dma_start3A_117, %mul3A_116, %dma_start3A_121] : memref<2x320000x128xf32, #tpu.memory_space<hbm>> -> memref<1x100x128xf32, #tpu.memory_space<hbm>>
        %dma_start3A_123 = tpu.memref_squeeze %dma_start3A_122 : memref<1x100x128xf32, #tpu.memory_space<hbm>> -> memref<100x128xf32, #tpu.memory_space<hbm>>
        tpu.enqueue_dma source(%dma_start3A_123 : memref<100x128xf32, #tpu.memory_space<hbm>>) target(%arg5 : memref<100x128xf32, #tpu.memory_space<vmem>>) target_semaphore(%arg10 : memref<!tpu.dma_semaphore, #tpu.memory_space<semaphore_mem>>)
        %dma_start3A_124 = arith.constant 0 : i32
        %dma_start3A_125 = tpu.memref_slice %arg3[%add3A_114, %dma_start3A_124] : memref<3200x100xi32, #tpu.memory_space<hbm>> -> memref<1x100xi32, #tpu.memory_space<hbm>>
        %dma_start3A_126 = tpu.memref_squeeze %dma_start3A_125 : memref<1x100xi32, #tpu.memory_space<hbm>> -> memref<100xi32, #tpu.memory_space<hbm>>
        %dma_start3A_127 = arith.constant 0 : i32
        %dma_start3A_128 = tpu.memref_slice %arg3[%add3A_114, %dma_start3A_127] : memref<3200x100xi32, #tpu.memory_space<hbm>> -> memref<1x100xi32, #tpu.memory_space<hbm>>
        %dma_start3A_129 = tpu.memref_squeeze %dma_start3A_128 : memref<1x100xi32, #tpu.memory_space<hbm>> -> memref<100xi32, #tpu.memory_space<hbm>>
        tpu.enqueue_dma source(%dma_start3A_129 : memref<100xi32, #tpu.memory_space<hbm>>) target(%arg7 : memref<100xi32, #tpu.memory_space<vmem>>) target_semaphore(%arg10 : memref<!tpu.dma_semaphore, #tpu.memory_space<semaphore_mem>>)
      } else {
      }
      "tpu.region"() ({
        %run_scoped3A = tpu.sem_alloc : memref<!tpu.dma_semaphore, #tpu.memory_space<semaphore_mem>>
        %dma_start3A_113 = arith.constant 0 : i32
        %dma_start3A_114 = arith.constant 0 : i32
        %dma_start3A_115 = tpu.memref_slice %arg9[%dma_start3A_113, %dma_start3A_114] : memref<10000x128xf32, #tpu.memory_space<vmem_shared>> -> memref<10000x128xf32, #tpu.memory_space<vmem_shared>>
        tpu.enqueue_indirect_dma source(%arg6 : memref<100x128xf32, #tpu.memory_space<vmem>>) target(%dma_start3A_115 : memref<10000x128xf32, #tpu.memory_space<vmem_shared>>) offsets(%arg8 : memref<100xi32, #tpu.memory_space<vmem>>) semaphore(%run_scoped3A : memref<!tpu.dma_semaphore, #tpu.memory_space<semaphore_mem>>) {add = true}
        %dma_wait3A_116 = arith.constant 0 : i32
        %dma_wait3A_117 = arith.constant 0 : i32
        %dma_wait3A_118 = tpu.memref_slice %arg9[%dma_wait3A_116, %dma_wait3A_117] : memref<10000x128xf32, #tpu.memory_space<vmem_shared>> -> memref<10000x128xf32, #tpu.memory_space<vmem_shared>>
        tpu.wait_indirect_dma semaphore(%run_scoped3A : memref<!tpu.dma_semaphore, #tpu.memory_space<semaphore_mem>>) src(%arg6 : memref<100x128xf32, #tpu.memory_space<vmem>>) dst(%dma_wait3A_118 : memref<10000x128xf32, #tpu.memory_space<vmem_shared>>)
        tpu.yield
      }) : () -> ()
      %scan3A_112 = arith.constant 0 : i32
      scf.yield %scan3A_112 : i32
    }
    %scan3A_58 = arith.constant 50 : i32
    %barrier3A_59 = arith.constant 0 : index
    tpu.barrier barrier_id(%barrier3A_59)
    %mul3A_60 = arith.constant 625 : i32
    %mul3A_61 = arith.muli %arg1, %mul3A_60 : i32
    "tpu.region"() ({
      %run_scoped3A = tpu.sem_alloc : memref<!tpu.dma_semaphore, #tpu.memory_space<semaphore_mem>>
      %dma_start3A_62 = arith.constant 0 : i32
      %dma_start3A_63 = tpu.memref_slice %arg4[%arg0, %mul3A_61, %dma_start3A_62] : memref<2x10000x128xf32, #tpu.memory_space<hbm>> -> memref<1x625x128xf32, #tpu.memory_space<hbm>>
      %dma_start3A_64 = tpu.memref_squeeze %dma_start3A_63 : memref<1x625x128xf32, #tpu.memory_space<hbm>> -> memref<625x128xf32, #tpu.memory_space<hbm>>
      %dma_start3A_65 = arith.constant 0 : i32
      %dma_start3A_66 = tpu.memref_slice %arg9[%mul3A_61, %dma_start3A_65] : memref<10000x128xf32, #tpu.memory_space<vmem_shared>> -> memref<625x128xf32, #tpu.memory_space<vmem_shared>>
      tpu.enqueue_dma source(%dma_start3A_66 : memref<625x128xf32, #tpu.memory_space<vmem_shared>>) target(%dma_start3A_64 : memref<625x128xf32, #tpu.memory_space<hbm>>) target_semaphore(%run_scoped3A : memref<!tpu.dma_semaphore, #tpu.memory_space<semaphore_mem>>)
      %dma_wait3A = arith.constant 0 : i32
      %dma_wait3A_67 = tpu.memref_slice %arg4[%arg0, %mul3A_61, %dma_wait3A] : memref<2x10000x128xf32, #tpu.memory_space<hbm>> -> memref<1x625x128xf32, #tpu.memory_space<hbm>>
      %dma_wait3A_68 = tpu.memref_squeeze %dma_wait3A_67 : memref<1x625x128xf32, #tpu.memory_space<hbm>> -> memref<625x128xf32, #tpu.memory_space<hbm>>
      %dma_wait3A_69 = arith.constant 0 : i32
      %dma_wait3A_70 = tpu.memref_slice %arg9[%mul3A_61, %dma_wait3A_69] : memref<10000x128xf32, #tpu.memory_space<vmem_shared>> -> memref<625x128xf32, #tpu.memory_space<vmem_shared>>
      tpu.wait_dma2 semaphore(%run_scoped3A : memref<!tpu.dma_semaphore, #tpu.memory_space<semaphore_mem>>) src(%dma_wait3A_70 : memref<625x128xf32, #tpu.memory_space<vmem_shared>>) dst(%dma_wait3A_68 : memref<625x128xf32, #tpu.memory_space<hbm>>)
      tpu.yield
    }) : () -> ()
    return
  }
}

module attributes {stable_mosaic.version = 14 : i64} {
  func.func @_edge_mlp_body(%arg0: i32, %arg1: memref<2000x16xf32, #tpu.memory_space<vmem>>, %arg2: memref<16x128xf32, #tpu.memory_space<vmem>>, %arg3: memref<128xf32, #tpu.memory_space<vmem>>, %arg4: memref<128x128xf32, #tpu.memory_space<vmem>>, %arg5: memref<128xf32, #tpu.memory_space<vmem>>, %arg6: memref<2000x128xf32, #tpu.memory_space<vmem>>) attributes {dimension_semantics = [#tpu.dimension_semantics<arbitrary>], iteration_bounds = array<i64: 160>, scalar_prefetch = 0 : i64, scratch_operands = 0 : i64, tpu.core_type = #tpu.core_type<tc>, window_params = [{transform_indices = @transform_0, window_bounds = array<i64: 2000, 16>}, {pipeline_mode = #tpu.pipeline_mode<synchronous>, transform_indices = @transform_1, window_bounds = array<i64: 16, 128>}, {pipeline_mode = #tpu.pipeline_mode<synchronous>, transform_indices = @transform_2, window_bounds = array<i64: 128>}, {pipeline_mode = #tpu.pipeline_mode<synchronous>, transform_indices = @transform_3, window_bounds = array<i64: 128, 128>}, {pipeline_mode = #tpu.pipeline_mode<synchronous>, transform_indices = @transform_4, window_bounds = array<i64: 128>}, {transform_indices = @transform_5, window_bounds = array<i64: 2000, 128>}]} {
    %get3A = arith.constant 0 : index
    %get3A_0 = arith.constant 0 : index
    %get3A_1 = vector.load %arg1[%get3A, %get3A_0] : memref<2000x16xf32, #tpu.memory_space<vmem>>, vector<2000x16xf32>
    %get3A_2 = arith.constant 0 : index
    %get3A_3 = arith.constant 0 : index
    %get3A_4 = vector.load %arg2[%get3A_2, %get3A_3] : memref<16x128xf32, #tpu.memory_space<vmem>>, vector<16x128xf32>
    %dot_general3A = arith.constant dense<0.000000e+00> : vector<2000x128xf32>
    %dot_general3A_5 = tpu.matmul %get3A_1, %get3A_4, %dot_general3A {dimension_numbers = #tpu.dot_dimension_numbers<[1], [0], [0], [1], [0, 0, 1, 1], [], []>, transpose_lhs_hint = false} : vector<2000x16xf32>, vector<16x128xf32>, vector<2000x128xf32> -> vector<2000x128xf32>
    %get3A_6 = arith.constant 0 : index
    %get3A_7 = vector.load %arg3[%get3A_6] : memref<128xf32, #tpu.memory_space<vmem>>, vector<128xf32>
    %broadcast_in_dim3A = vector.shape_cast %get3A_7 : vector<128xf32> to vector<1x128xf32>
    %add3A = vector.broadcast %broadcast_in_dim3A : vector<1x128xf32> to vector<2000x128xf32>
    %add3A_8 = arith.addf %dot_general3A_5, %add3A : vector<2000x128xf32>
    %neg3A = arith.constant 0.000000e+00 : f32
    %neg3A_9 = vector.broadcast %neg3A : f32 to vector<2000x128xf32>
    %neg3A_10 = arith.subf %neg3A_9, %add3A_8 : vector<2000x128xf32>
    %exp3A = math.exp %neg3A_10 : vector<2000x128xf32>
    %add3A_11 = arith.constant 1.000000e+00 : f32
    %add3A_12 = vector.broadcast %add3A_11 : f32 to vector<2000x128xf32>
    %add3A_13 = arith.addf %add3A_12, %exp3A : vector<2000x128xf32>
    %div3A = arith.constant 1.000000e+00 : f32
    %div3A_14 = vector.broadcast %div3A : f32 to vector<2000x128xf32>
    %div3A_15 = arith.divf %div3A_14, %add3A_13 : vector<2000x128xf32>
    %mul3A = arith.mulf %add3A_8, %div3A_15 : vector<2000x128xf32>
    %get3A_16 = arith.constant 0 : index
    %get3A_17 = arith.constant 0 : index
    %get3A_18 = vector.load %arg4[%get3A_16, %get3A_17] : memref<128x128xf32, #tpu.memory_space<vmem>>, vector<128x128xf32>
    %dot_general3A_19 = arith.constant dense<0.000000e+00> : vector<2000x128xf32>
    %dot_general3A_20 = tpu.matmul %mul3A, %get3A_18, %dot_general3A_19 {dimension_numbers = #tpu.dot_dimension_numbers<[1], [0], [0], [1], [0, 0, 1, 1], [], []>, transpose_lhs_hint = false} : vector<2000x128xf32>, vector<128x128xf32>, vector<2000x128xf32> -> vector<2000x128xf32>
    %get3A_21 = arith.constant 0 : index
    %get3A_22 = vector.load %arg5[%get3A_21] : memref<128xf32, #tpu.memory_space<vmem>>, vector<128xf32>
    %broadcast_in_dim3A_23 = vector.shape_cast %get3A_22 : vector<128xf32> to vector<1x128xf32>
    %add3A_24 = vector.broadcast %broadcast_in_dim3A_23 : vector<1x128xf32> to vector<2000x128xf32>
    %add3A_25 = arith.addf %dot_general3A_20, %add3A_24 : vector<2000x128xf32>
    %swap3A = arith.constant 0 : index
    %swap3A_26 = arith.constant 0 : index
    %swap3A_27 = vector.load %arg6[%swap3A, %swap3A_26] : memref<2000x128xf32, #tpu.memory_space<vmem>>, vector<2000x128xf32>
    tpu.vector_store %arg6[%swap3A, %swap3A_26], %add3A_25 {strides = array<i32>} : memref<2000x128xf32, #tpu.memory_space<vmem>>, vector<2000x128xf32>,
    return
  }
  func.func @transform_0(%arg0: i32) -> (i32, i32) {
    %c0_i32 = arith.constant 0 : i32
    %c0_i32_0 = arith.constant 0 : i32
    return %arg0, %c0_i32 : i32, i32
  }
  func.func @transform_1(%arg0: i32) -> (i32, i32) {
    %c0_i32 = arith.constant 0 : i32
    %c0_i32_0 = arith.constant 0 : i32
    %c0_i32_1 = arith.constant 0 : i32
    return %c0_i32, %c0_i32_0 : i32, i32
  }
  func.func @transform_2(%arg0: i32) -> i32 {
    %c0_i32 = arith.constant 0 : i32
    %c0_i32_0 = arith.constant 0 : i32
    return %c0_i32 : i32
  }
  func.func @transform_3(%arg0: i32) -> (i32, i32) {
    %c0_i32 = arith.constant 0 : i32
    %c0_i32_0 = arith.constant 0 : i32
    %c0_i32_1 = arith.constant 0 : i32
    return %c0_i32, %c0_i32_0 : i32, i32
  }
  func.func @transform_4(%arg0: i32) -> i32 {
    %c0_i32 = arith.constant 0 : i32
    %c0_i32_0 = arith.constant 0 : i32
    return %c0_i32 : i32
  }
  func.func @transform_5(%arg0: i32) -> (i32, i32) {
    %c0_i32 = arith.constant 0 : i32
    %c0_i32_0 = arith.constant 0 : i32
    return %arg0, %c0_i32 : i32, i32
  }
}

module attributes {stable_mosaic.version = 14 : i64} {
  func.func @_vh_body(%arg0: i32, %arg1: memref<2x2000x128xf32, #tpu.memory_space<vmem>>, %arg2: memref<128x128xf32, #tpu.memory_space<vmem>>, %arg3: memref<2000x128xf32, #tpu.memory_space<vmem>>, %arg4: memref<2000x128xf32, #tpu.memory_space<vmem>>) attributes {dimension_semantics = [#tpu.dimension_semantics<arbitrary>], iteration_bounds = array<i64: 5>, scalar_prefetch = 0 : i64, scratch_operands = 0 : i64, tpu.core_type = #tpu.core_type<tc>, window_params = [{transform_indices = @transform_0, window_bounds = array<i64: 2, 2000, 128>}, {pipeline_mode = #tpu.pipeline_mode<synchronous>, transform_indices = @transform_1, window_bounds = array<i64: 128, 128>}, {transform_indices = @transform_2, window_bounds = array<i64: 2000, 128>}, {transform_indices = @transform_3, window_bounds = array<i64: 2000, 128>}]} {
    %get3A = arith.constant 0 : index
    %get3A_0 = arith.constant 0 : index
    %get3A_1 = arith.constant 0 : index
    %get3A_2 = vector.load %arg1[%get3A, %get3A_0, %get3A_1] : memref<2x2000x128xf32, #tpu.memory_space<vmem>>, vector<1x2000x128xf32>
    %get3A_3 = vector.shape_cast %get3A_2 : vector<1x2000x128xf32> to vector<2000x128xf32>
    %get3A_4 = arith.constant 1 : index
    %get3A_5 = arith.constant 0 : index
    %get3A_6 = arith.constant 0 : index
    %get3A_7 = vector.load %arg1[%get3A_4, %get3A_5, %get3A_6] : memref<2x2000x128xf32, #tpu.memory_space<vmem>>, vector<1x2000x128xf32>
    %get3A_8 = vector.shape_cast %get3A_7 : vector<1x2000x128xf32> to vector<2000x128xf32>
    %add3A = arith.addf %get3A_3, %get3A_8 : vector<2000x128xf32>
    %swap3A = arith.constant 0 : index
    %swap3A_9 = arith.constant 0 : index
    %swap3A_10 = vector.load %arg3[%swap3A, %swap3A_9] : memref<2000x128xf32, #tpu.memory_space<vmem>>, vector<2000x128xf32>
    tpu.vector_store %arg3[%swap3A, %swap3A_9], %add3A {strides = array<i32>} : memref<2000x128xf32, #tpu.memory_space<vmem>>, vector<2000x128xf32>,
    %get3A_11 = arith.constant 0 : index
    %get3A_12 = arith.constant 0 : index
    %get3A_13 = vector.load %arg2[%get3A_11, %get3A_12] : memref<128x128xf32, #tpu.memory_space<vmem>>, vector<128x128xf32>
    %dot_general3A = arith.constant dense<0.000000e+00> : vector<2000x128xf32>
    %dot_general3A_14 = tpu.matmul %add3A, %get3A_13, %dot_general3A {dimension_numbers = #tpu.dot_dimension_numbers<[1], [0], [0], [1], [0, 0, 1, 1], [], []>, transpose_lhs_hint = false} : vector<2000x128xf32>, vector<128x128xf32>, vector<2000x128xf32> -> vector<2000x128xf32>
    %swap3A_15 = arith.constant 0 : index
    %swap3A_16 = arith.constant 0 : index
    %swap3A_17 = vector.load %arg4[%swap3A_15, %swap3A_16] : memref<2000x128xf32, #tpu.memory_space<vmem>>, vector<2000x128xf32>
    tpu.vector_store %arg4[%swap3A_15, %swap3A_16], %dot_general3A_14 {strides = array<i32>} : memref<2000x128xf32, #tpu.memory_space<vmem>>, vector<2000x128xf32>,
    return
  }
  func.func @transform_0(%arg0: i32) -> (i32, i32, i32) {
    %c0_i32 = arith.constant 0 : i32
    %c0_i32_0 = arith.constant 0 : i32
    %c0_i32_1 = arith.constant 0 : i32
    return %c0_i32, %arg0, %c0_i32_0 : i32, i32, i32
  }
  func.func @transform_1(%arg0: i32) -> (i32, i32) {
    %c0_i32 = arith.constant 0 : i32
    %c0_i32_0 = arith.constant 0 : i32
    %c0_i32_1 = arith.constant 0 : i32
    return %c0_i32, %c0_i32_0 : i32, i32
  }
  func.func @transform_2(%arg0: i32) -> (i32, i32) {
    %c0_i32 = arith.constant 0 : i32
    %c0_i32_0 = arith.constant 0 : i32
    return %arg0, %c0_i32 : i32, i32
  }
  func.func @transform_3(%arg0: i32) -> (i32, i32) {
    %c0_i32 = arith.constant 0 : i32
    %c0_i32_0 = arith.constant 0 : i32
    return %arg0, %c0_i32 : i32, i32
  }
}

module attributes {stable_mosaic.version = 14 : i64} {
  func.func @_tail_body(%arg0: i32, %arg1: memref<2000x128xf32, #tpu.memory_space<vmem>>, %arg2: memref<2x2000x128xf32, #tpu.memory_space<vmem>>, %arg3: memref<128x128xf32, #tpu.memory_space<vmem>>, %arg4: memref<128xf32, #tpu.memory_space<vmem>>, %arg5: memref<128x256xf32, #tpu.memory_space<vmem>>, %arg6: memref<256xf32, #tpu.memory_space<vmem>>, %arg7: memref<128x128xf32, #tpu.memory_space<vmem>>, %arg8: memref<256x128xf32, #tpu.memory_space<vmem>>, %arg9: memref<128xf32, #tpu.memory_space<vmem>>, %arg10: memref<128x256xf32, #tpu.memory_space<vmem>>, %arg11: memref<256xf32, #tpu.memory_space<vmem>>, %arg12: memref<256x256xf32, #tpu.memory_space<vmem>>, %arg13: memref<256xf32, #tpu.memory_space<vmem>>, %arg14: memref<256x256xf32, #tpu.memory_space<vmem>>, %arg15: memref<256xf32, #tpu.memory_space<vmem>>, %arg16: memref<256x128xf32, #tpu.memory_space<vmem>>, %arg17: memref<2000x128xf32, #tpu.memory_space<vmem>>) attributes {dimension_semantics = [#tpu.dimension_semantics<arbitrary>], iteration_bounds = array<i64: 5>, scalar_prefetch = 0 : i64, scratch_operands = 0 : i64, tpu.core_type = #tpu.core_type<tc>, window_params = [{transform_indices = @transform_0, window_bounds = array<i64: 2000, 128>}, {transform_indices = @transform_1, window_bounds = array<i64: 2, 2000, 128>}, {pipeline_mode = #tpu.pipeline_mode<synchronous>, transform_indices = @transform_2, window_bounds = array<i64: 128, 128>}, {pipeline_mode = #tpu.pipeline_mode<synchronous>, transform_indices = @transform_3, window_bounds = array<i64: 128>}, {pipeline_mode = #tpu.pipeline_mode<synchronous>, transform_indices = @transform_4, window_bounds = array<i64: 128, 256>}, {pipeline_mode = #tpu.pipeline_mode<synchronous>, transform_indices = @transform_5, window_bounds = array<i64: 256>}, {pipeline_mode = #tpu.pipeline_mode<synchronous>, transform_indices = @transform_6, window_bounds = array<i64: 128, 128>}, {pipeline_mode = #tpu.pipeline_mode<synchronous>, transform_indices = @transform_7, window_bounds = array<i64: 256, 128>}, {pipeline_mode = #tpu.pipeline_mode<synchronous>, transform_indices = @transform_8, window_bounds = array<i64: 128>}, {pipeline_mode = #tpu.pipeline_mode<synchronous>, transform_indices = @transform_9, window_bounds = array<i64: 128, 256>}, {pipeline_mode = #tpu.pipeline_mode<synchronous>, transform_indices = @transform_10, window_bounds = array<i64: 256>}, {pipeline_mode = #tpu.pipeline_mode<synchronous>, transform_indices = @transform_11, window_bounds = array<i64: 256, 256>}, {pipeline_mode = #tpu.pipeline_mode<synchronous>, transform_indices = @transform_12, window_bounds = array<i64: 256>}, {pipeline_mode = #tpu.pipeline_mode<synchronous>, transform_indices = @transform_13, window_bounds = array<i64: 256, 256>}, {pipeline_mode = #tpu.pipeline_mode<synchronous>, transform_indices = @transform_14, window_bounds = array<i64: 256>}, {pipeline_mode = #tpu.pipeline_mode<synchronous>, transform_indices = @transform_15, window_bounds = array<i64: 256, 128>}, {transform_indices = @transform_16, window_bounds = array<i64: 2000, 128>}]} {
    %get3A = arith.constant 0 : index
    %get3A_0 = arith.constant 0 : index
    %get3A_1 = arith.constant 0 : index
    %get3A_2 = vector.load %arg2[%get3A, %get3A_0, %get3A_1] : memref<2x2000x128xf32, #tpu.memory_space<vmem>>, vector<1x2000x128xf32>
    %get3A_3 = vector.shape_cast %get3A_2 : vector<1x2000x128xf32> to vector<2000x128xf32>
    %get3A_4 = arith.constant 1 : index
    %get3A_5 = arith.constant 0 : index
    %get3A_6 = arith.constant 0 : index
    %get3A_7 = vector.load %arg2[%get3A_4, %get3A_5, %get3A_6] : memref<2x2000x128xf32, #tpu.memory_space<vmem>>, vector<1x2000x128xf32>
    %get3A_8 = vector.shape_cast %get3A_7 : vector<1x2000x128xf32> to vector<2000x128xf32>
    %add3A = arith.addf %get3A_3, %get3A_8 : vector<2000x128xf32>
    %get3A_9 = arith.constant 0 : index
    %get3A_10 = arith.constant 0 : index
    %get3A_11 = vector.load %arg3[%get3A_9, %get3A_10] : memref<128x128xf32, #tpu.memory_space<vmem>>, vector<128x128xf32>
    %dot_general3A = arith.constant dense<0.000000e+00> : vector<2000x128xf32>
    %dot_general3A_12 = tpu.matmul %add3A, %get3A_11, %dot_general3A {dimension_numbers = #tpu.dot_dimension_numbers<[1], [0], [0], [1], [0, 0, 1, 1], [], []>, transpose_lhs_hint = false} : vector<2000x128xf32>, vector<128x128xf32>, vector<2000x128xf32> -> vector<2000x128xf32>
    %get3A_13 = arith.constant 0 : index
    %get3A_14 = vector.load %arg4[%get3A_13] : memref<128xf32, #tpu.memory_space<vmem>>, vector<128xf32>
    %broadcast_in_dim3A = vector.shape_cast %get3A_14 : vector<128xf32> to vector<1x128xf32>
    %add3A_15 = vector.broadcast %broadcast_in_dim3A : vector<1x128xf32> to vector<2000x128xf32>
    %add3A_16 = arith.addf %dot_general3A_12, %add3A_15 : vector<2000x128xf32>
    %neg3A = arith.constant 0.000000e+00 : f32
    %neg3A_17 = vector.broadcast %neg3A : f32 to vector<2000x128xf32>
    %neg3A_18 = arith.subf %neg3A_17, %add3A_16 : vector<2000x128xf32>
    %exp3A = math.exp %neg3A_18 : vector<2000x128xf32>
    %add3A_19 = arith.constant 1.000000e+00 : f32
    %add3A_20 = vector.broadcast %add3A_19 : f32 to vector<2000x128xf32>
    %add3A_21 = arith.addf %add3A_20, %exp3A : vector<2000x128xf32>
    %div3A = arith.constant 1.000000e+00 : f32
    %div3A_22 = vector.broadcast %div3A : f32 to vector<2000x128xf32>
    %div3A_23 = arith.divf %div3A_22, %add3A_21 : vector<2000x128xf32>
    %mul3A = arith.mulf %add3A_16, %div3A_23 : vector<2000x128xf32>
    %get3A_24 = arith.constant 0 : index
    %get3A_25 = arith.constant 0 : index
    %get3A_26 = vector.load %arg5[%get3A_24, %get3A_25] : memref<128x256xf32, #tpu.memory_space<vmem>>, vector<128x256xf32>
    %dot_general3A_27 = arith.constant dense<0.000000e+00> : vector<2000x256xf32>
    %dot_general3A_28 = tpu.matmul %mul3A, %get3A_26, %dot_general3A_27 {dimension_numbers = #tpu.dot_dimension_numbers<[1], [0], [0], [1], [0, 0, 1, 1], [], []>, transpose_lhs_hint = false} : vector<2000x128xf32>, vector<128x256xf32>, vector<2000x256xf32> -> vector<2000x256xf32>
    %get3A_29 = arith.constant 0 : index
    %get3A_30 = vector.load %arg6[%get3A_29] : memref<256xf32, #tpu.memory_space<vmem>>, vector<256xf32>
    %broadcast_in_dim3A_31 = vector.shape_cast %get3A_30 : vector<256xf32> to vector<1x256xf32>
    %add3A_32 = vector.broadcast %broadcast_in_dim3A_31 : vector<1x256xf32> to vector<2000x256xf32>
    %add3A_33 = arith.addf %dot_general3A_28, %add3A_32 : vector<2000x256xf32>
    %get3A_34 = arith.constant 0 : index
    %get3A_35 = arith.constant 0 : index
    %get3A_36 = vector.load %arg1[%get3A_34, %get3A_35] : memref<2000x128xf32, #tpu.memory_space<vmem>>, vector<2000x128xf32>
    %get3A_37 = arith.constant 0 : index
    %get3A_38 = arith.constant 0 : index
    %get3A_39 = vector.load %arg7[%get3A_37, %get3A_38] : memref<128x128xf32, #tpu.memory_space<vmem>>, vector<128x128xf32>
    %dot_general3A_40 = arith.constant dense<0.000000e+00> : vector<2000x128xf32>
    %dot_general3A_41 = tpu.matmul %get3A_36, %get3A_39, %dot_general3A_40 {dimension_numbers = #tpu.dot_dimension_numbers<[1], [0], [0], [1], [0, 0, 1, 1], [], []>, transpose_lhs_hint = false} : vector<2000x128xf32>, vector<128x128xf32>, vector<2000x128xf32> -> vector<2000x128xf32>
    %get3A_42 = arith.constant 0 : index
    %get3A_43 = arith.constant 0 : index
    %get3A_44 = vector.load %arg8[%get3A_42, %get3A_43] : memref<256x128xf32, #tpu.memory_space<vmem>>, vector<256x128xf32>
    %dot_general3A_45 = arith.constant dense<0.000000e+00> : vector<2000x128xf32>
    %dot_general3A_46 = tpu.matmul %add3A_33, %get3A_44, %dot_general3A_45 {dimension_numbers = #tpu.dot_dimension_numbers<[1], [0], [0], [1], [0, 0, 1, 1], [], []>, transpose_lhs_hint = false} : vector<2000x256xf32>, vector<256x128xf32>, vector<2000x128xf32> -> vector<2000x128xf32>
    %add3A_47 = arith.addf %dot_general3A_41, %dot_general3A_46 : vector<2000x128xf32>
    %get3A_48 = arith.constant 0 : index
    %get3A_49 = vector.load %arg9[%get3A_48] : memref<128xf32, #tpu.memory_space<vmem>>, vector<128xf32>
    %broadcast_in_dim3A_50 = vector.shape_cast %get3A_49 : vector<128xf32> to vector<1x128xf32>
    %add3A_51 = vector.broadcast %broadcast_in_dim3A_50 : vector<1x128xf32> to vector<2000x128xf32>
    %add3A_52 = arith.addf %add3A_47, %add3A_51 : vector<2000x128xf32>
    %neg3A_53 = arith.constant 0.000000e+00 : f32
    %neg3A_54 = vector.broadcast %neg3A_53 : f32 to vector<2000x128xf32>
    %neg3A_55 = arith.subf %neg3A_54, %add3A_52 : vector<2000x128xf32>
    %exp3A_56 = math.exp %neg3A_55 : vector<2000x128xf32>
    %add3A_57 = arith.constant 1.000000e+00 : f32
    %add3A_58 = vector.broadcast %add3A_57 : f32 to vector<2000x128xf32>
    %add3A_59 = arith.addf %add3A_58, %exp3A_56 : vector<2000x128xf32>
    %div3A_60 = arith.constant 1.000000e+00 : f32
    %div3A_61 = vector.broadcast %div3A_60 : f32 to vector<2000x128xf32>
    %div3A_62 = arith.divf %div3A_61, %add3A_59 : vector<2000x128xf32>
    %mul3A_63 = arith.mulf %add3A_52, %div3A_62 : vector<2000x128xf32>
    %get3A_64 = arith.constant 0 : index
    %get3A_65 = arith.constant 0 : index
    %get3A_66 = vector.load %arg10[%get3A_64, %get3A_65] : memref<128x256xf32, #tpu.memory_space<vmem>>, vector<128x256xf32>
    %dot_general3A_67 = arith.constant dense<0.000000e+00> : vector<2000x256xf32>
    %dot_general3A_68 = tpu.matmul %mul3A_63, %get3A_66, %dot_general3A_67 {dimension_numbers = #tpu.dot_dimension_numbers<[1], [0], [0], [1], [0, 0, 1, 1], [], []>, transpose_lhs_hint = false} : vector<2000x128xf32>, vector<128x256xf32>, vector<2000x256xf32> -> vector<2000x256xf32>
    %get3A_69 = arith.constant 0 : index
    %get3A_70 = vector.load %arg11[%get3A_69] : memref<256xf32, #tpu.memory_space<vmem>>, vector<256xf32>
    %broadcast_in_dim3A_71 = vector.shape_cast %get3A_70 : vector<256xf32> to vector<1x256xf32>
    %add3A_72 = vector.broadcast %broadcast_in_dim3A_71 : vector<1x256xf32> to vector<2000x256xf32>
    %add3A_73 = arith.addf %dot_general3A_68, %add3A_72 : vector<2000x256xf32>
    %get3A_74 = arith.constant 0 : index
    %get3A_75 = arith.constant 0 : index
    %get3A_76 = vector.load %arg12[%get3A_74, %get3A_75] : memref<256x256xf32, #tpu.memory_space<vmem>>, vector<256x256xf32>
    %dot_general3A_77 = arith.constant dense<0.000000e+00> : vector<2000x256xf32>
    %dot_general3A_78 = tpu.matmul %add3A_73, %get3A_76, %dot_general3A_77 {dimension_numbers = #tpu.dot_dimension_numbers<[1], [0], [0], [1], [0, 0, 1, 1], [], []>, transpose_lhs_hint = false} : vector<2000x256xf32>, vector<256x256xf32>, vector<2000x256xf32> -> vector<2000x256xf32>
    %get3A_79 = arith.constant 0 : index
    %get3A_80 = vector.load %arg13[%get3A_79] : memref<256xf32, #tpu.memory_space<vmem>>, vector<256xf32>
    %broadcast_in_dim3A_81 = vector.shape_cast %get3A_80 : vector<256xf32> to vector<1x256xf32>
    %add3A_82 = vector.broadcast %broadcast_in_dim3A_81 : vector<1x256xf32> to vector<2000x256xf32>
    %add3A_83 = arith.addf %dot_general3A_78, %add3A_82 : vector<2000x256xf32>
    %neg3A_84 = arith.constant 0.000000e+00 : f32
    %neg3A_85 = vector.broadcast %neg3A_84 : f32 to vector<2000x256xf32>
    %neg3A_86 = arith.subf %neg3A_85, %add3A_83 : vector<2000x256xf32>
    %exp3A_87 = math.exp %neg3A_86 : vector<2000x256xf32>
    %add3A_88 = arith.constant 1.000000e+00 : f32
    %add3A_89 = vector.broadcast %add3A_88 : f32 to vector<2000x256xf32>
    %add3A_90 = arith.addf %add3A_89, %exp3A_87 : vector<2000x256xf32>
    %div3A_91 = arith.constant 1.000000e+00 : f32
    %div3A_92 = vector.broadcast %div3A_91 : f32 to vector<2000x256xf32>
    %div3A_93 = arith.divf %div3A_92, %add3A_90 : vector<2000x256xf32>
    %mul3A_94 = arith.mulf %add3A_83, %div3A_93 : vector<2000x256xf32>
    %get3A_95 = arith.constant 0 : index
    %get3A_96 = arith.constant 0 : index
    %get3A_97 = vector.load %arg14[%get3A_95, %get3A_96] : memref<256x256xf32, #tpu.memory_space<vmem>>, vector<256x256xf32>
    %dot_general3A_98 = arith.constant dense<0.000000e+00> : vector<2000x256xf32>
    %dot_general3A_99 = tpu.matmul %mul3A_94, %get3A_97, %dot_general3A_98 {dimension_numbers = #tpu.dot_dimension_numbers<[1], [0], [0], [1], [0, 0, 1, 1], [], []>, transpose_lhs_hint = false} : vector<2000x256xf32>, vector<256x256xf32>, vector<2000x256xf32> -> vector<2000x256xf32>
    %get3A_100 = arith.constant 0 : index
    %get3A_101 = vector.load %arg15[%get3A_100] : memref<256xf32, #tpu.memory_space<vmem>>, vector<256xf32>
    %broadcast_in_dim3A_102 = vector.shape_cast %get3A_101 : vector<256xf32> to vector<1x256xf32>
    %add3A_103 = vector.broadcast %broadcast_in_dim3A_102 : vector<1x256xf32> to vector<2000x256xf32>
    %add3A_104 = arith.addf %dot_general3A_99, %add3A_103 : vector<2000x256xf32>
    %neg3A_105 = arith.constant 0.000000e+00 : f32
    %neg3A_106 = vector.broadcast %neg3A_105 : f32 to vector<2000x256xf32>
    %neg3A_107 = arith.subf %neg3A_106, %add3A_104 : vector<2000x256xf32>
    %exp3A_108 = math.exp %neg3A_107 : vector<2000x256xf32>
    %add3A_109 = arith.constant 1.000000e+00 : f32
    %add3A_110 = vector.broadcast %add3A_109 : f32 to vector<2000x256xf32>
    %add3A_111 = arith.addf %add3A_110, %exp3A_108 : vector<2000x256xf32>
    %div3A_112 = arith.constant 1.000000e+00 : f32
    %div3A_113 = vector.broadcast %div3A_112 : f32 to vector<2000x256xf32>
    %div3A_114 = arith.divf %div3A_113, %add3A_111 : vector<2000x256xf32>
    %mul3A_115 = arith.mulf %add3A_104, %div3A_114 : vector<2000x256xf32>
    %get3A_116 = arith.constant 0 : index
    %get3A_117 = arith.constant 0 : index
    %get3A_118 = vector.load %arg16[%get3A_116, %get3A_117] : memref<256x128xf32, #tpu.memory_space<vmem>>, vector<256x128xf32>
    %dot_general3A_119 = arith.constant dense<0.000000e+00> : vector<2000x128xf32>
    %dot_general3A_120 = tpu.matmul %mul3A_115, %get3A_118, %dot_general3A_119 {dimension_numbers = #tpu.dot_dimension_numbers<[1], [0], [0], [1], [0, 0, 1, 1], [], []>, transpose_lhs_hint = false} : vector<2000x256xf32>, vector<256x128xf32>, vector<2000x128xf32> -> vector<2000x128xf32>
    %swap3A = arith.constant 0 : index
    %swap3A_121 = arith.constant 0 : index
    %swap3A_122 = vector.load %arg17[%swap3A, %swap3A_121] : memref<2000x128xf32, #tpu.memory_space<vmem>>, vector<2000x128xf32>
    tpu.vector_store %arg17[%swap3A, %swap3A_121], %dot_general3A_120 {strides = array<i32>} : memref<2000x128xf32, #tpu.memory_space<vmem>>, vector<2000x128xf32>,
    return
  }
  func.func @transform_0(%arg0: i32) -> (i32, i32) {
    %c0_i32 = arith.constant 0 : i32
    %c0_i32_0 = arith.constant 0 : i32
    return %arg0, %c0_i32 : i32, i32
  }
  func.func @transform_1(%arg0: i32) -> (i32, i32, i32) {
    %c0_i32 = arith.constant 0 : i32
    %c0_i32_0 = arith.constant 0 : i32
    %c0_i32_1 = arith.constant 0 : i32
    return %c0_i32, %arg0, %c0_i32_0 : i32, i32, i32
  }
  func.func @transform_2(%arg0: i32) -> (i32, i32) {
    %c0_i32 = arith.constant 0 : i32
    %c0_i32_0 = arith.constant 0 : i32
    %c0_i32_1 = arith.constant 0 : i32
    return %c0_i32, %c0_i32_0 : i32, i32
  }
  func.func @transform_3(%arg0: i32) -> i32 {
    %c0_i32 = arith.constant 0 : i32
    %c0_i32_0 = arith.constant 0 : i32
    return %c0_i32 : i32
  }
  func.func @transform_4(%arg0: i32) -> (i32, i32) {
    %c0_i32 = arith.constant 0 : i32
    %c0_i32_0 = arith.constant 0 : i32
    %c0_i32_1 = arith.constant 0 : i32
    return %c0_i32, %c0_i32_0 : i32, i32
  }
  func.func @transform_5(%arg0: i32) -> i32 {
    %c0_i32 = arith.constant 0 : i32
    %c0_i32_0 = arith.constant 0 : i32
    return %c0_i32 : i32
  }
  func.func @transform_6(%arg0: i32) -> (i32, i32) {
    %c0_i32 = arith.constant 0 : i32
    %c0_i32_0 = arith.constant 0 : i32
    %c0_i32_1 = arith.constant 0 : i32
    return %c0_i32, %c0_i32_0 : i32, i32
  }
  func.func @transform_7(%arg0: i32) -> (i32, i32) {
    %c0_i32 = arith.constant 0 : i32
    %c0_i32_0 = arith.constant 0 : i32
    %c0_i32_1 = arith.constant 0 : i32
    return %c0_i32, %c0_i32_0 : i32, i32
  }
  func.func @transform_8(%arg0: i32) -> i32 {
    %c0_i32 = arith.constant 0 : i32
    %c0_i32_0 = arith.constant 0 : i32
    return %c0_i32 : i32
  }
  func.func @transform_9(%arg0: i32) -> (i32, i32) {
    %c0_i32 = arith.constant 0 : i32
    %c0_i32_0 = arith.constant 0 : i32
    %c0_i32_1 = arith.constant 0 : i32
    return %c0_i32, %c0_i32_0 : i32, i32
  }
  func.func @transform_10(%arg0: i32) -> i32 {
    %c0_i32 = arith.constant 0 : i32
    %c0_i32_0 = arith.constant 0 : i32
    return %c0_i32 : i32
  }
  func.func @transform_11(%arg0: i32) -> (i32, i32) {
    %c0_i32 = arith.constant 0 : i32
    %c0_i32_0 = arith.constant 0 : i32
    %c0_i32_1 = arith.constant 0 : i32
    return %c0_i32, %c0_i32_0 : i32, i32
  }
  func.func @transform_12(%arg0: i32) -> i32 {
    %c0_i32 = arith.constant 0 : i32
    %c0_i32_0 = arith.constant 0 : i32
    return %c0_i32 : i32
  }
  func.func @transform_13(%arg0: i32) -> (i32, i32) {
    %c0_i32 = arith.constant 0 : i32
    %c0_i32_0 = arith.constant 0 : i32
    %c0_i32_1 = arith.constant 0 : i32
    return %c0_i32, %c0_i32_0 : i32, i32
  }
  func.func @transform_14(%arg0: i32) -> i32 {
    %c0_i32 = arith.constant 0 : i32
    %c0_i32_0 = arith.constant 0 : i32
    return %c0_i32 : i32
  }
  func.func @transform_15(%arg0: i32) -> (i32, i32) {
    %c0_i32 = arith.constant 0 : i32
    %c0_i32_0 = arith.constant 0 : i32
    %c0_i32_1 = arith.constant 0 : i32
    return %c0_i32, %c0_i32_0 : i32, i32
  }
  func.func @transform_16(%arg0: i32) -> (i32, i32) {
    %c0_i32 = arith.constant 0 : i32
    %c0_i32_0 = arith.constant 0 : i32
    return %arg0, %c0_i32 : i32, i32
  }
}

</mosaic_0001>

<sc_bundles>
// kernel: kernel.10.cloned.1.call-start
scs
__scs_entry_jumppad:
0x0: {  	(pc) =	sbr.rel $0x88, $3  }
0x1: {  	(tag) =	ssettag $0x0;
	lr =	simm.s32 $0x1  }
0x2: {  	[smem:$0x3F8B] =	sst lr;
	_ =	strace $0xD0000000  }
0x3: {  	_ = 	snop  }
0x4: {  	_ = 	snop  }
0x5: {  	_ = 	snop  }
0x6: {  	_ = 	snop  }
0x7: {  	_ = 	snop  }
__scs_overlays_trampoline_lowered:
0x8: {  	[smem:$0x3F9A] =	sst s0  }
0x9: {  	[smem:$0x3F9B] =	sst s1  }
0xa: {  	[smem:$0x3F9C] =	sst s2  }
0xb: {  	[smem:$0x3F9D] =	sst s3  }
0xc: {  	[smem:$0x3F9E] =	sst s4  }
0xd: {  	[smem:$0x3F9F] =	sst s5  }
0xe: {  	[smem:$0x3FA0] =	sst s6  }
0xf: {  	[smem:$0x3FA1] =	sst s7  }
0x10: {  	[smem:$0x3FA2] =	sst s8  }
0x11: {  	[smem:$0x3FA3] =	sst s9;
	s0 =	simm.s32 @!p0 $0x0  }
0x12: {  	s1 =	sld [smem:$0x3F89];
	s0 =	simm.s32 @p0 $0x1  }
0x13: {  	[smem:$0x3FA4] =	sst s0;
	s0 =	simm.s32 @!p1 $0x0  }
0x14: {  	s2 =	sld [smem:$0x3F88];
	s0 =	simm.s32 @p1 $0x1  }
0x15: {  	[smem:$0x3FA5] =	sst s0;
	s0 =	simm.s32 @!p2 $0x0  }
0x16: {  	s3 =	sld [smem:$0x3FDB];
	s0 =	simm.s32 @p2 $0x1  }
0x17: {  	s4 =	simm.s32 $0x1BF5;
	[smem:$0x3FA7] =	sst s0  }
0x18: {  	s0 =	sld [smem:$0x3F8A];
	_ =	swait.ge [sflag:s4], $0x0  }
0x19: {  	s7 =	sld [smem:$0x3F8B]  }
0x1a: {  	s8 =	sadd.s32 $0xFFFFE003, lr  }
0x1b: {  	s9 =	sadd.s32 $0xFFFFFEF7, lr;
	s5 =	simm.s32 $0xFFFFFFFF;
	p2 =	slt.u32 s8, $0xFFFFF086  }
0x1c: {  	p1 =	slt.u32 s9, $0xF7A;
	s5 =	simm.s32 @!p2 $0x0  }
0x1d: {  	s5 =	simm.s32 @p1 $0x1;
	p0 =	seq.s32 s7, s2  }
0x1e: {  	s7 =	smul.u32 @!p0 $0xF7A, s2;
	p2 =	seq.s32 @!p0 s5, $0x0  }
0x1f: {  	s9 =	smul.u32 $0xF7A, s1;
	s8 =	simm.s32 @!p0 $0x1BF5;
	p2 =	por !p2, p0  }
0x20: {  	[sflag:s8] =	ssyncset.s32 @!p0 $0xFFFFF086;
	s6 =	sadd.s32 @!p0 s3, s7;
	s7 =	simm.s32 @!p0 $0x108  }
0x21: {  	s3 =	sadd.s32 s3, s9;
	s6 =	sadd.s32 @!p0 $0x88, s6;
	s7 =	simm.s32 @p2 $0x1082  }
0x22: {  	[simem:s7], [sflag:s8] =	dma.local @!p0 [hbm:s6], $0xF7A  }
0x23: {  	s9 =	sor.u32 $0xD0000000, s2;
	s6 =	simm.s32 $0x108;
	_ =	swait.ge @!p0 [sflag:s8], $0x0  }
0x24: {  	s3 =	sadd.s32 $0x88, s3;
	s6 =	simm.s32 @!p1 $0x1082;
	[sflag:s4] =	ssyncset.s32 $0xFFFFF086  }
0x25: {  	[simem:s6], [sflag:s4] =	dma.local [hbm:s3], $0xF7A  }
0x26: {  	[smem:$0x3F8B] =	sst s1;
	(tag) =	ssettag s2;
	_ =	strace s9  }
0x27: {  	s1 =	sld [smem:$0x3F9B]  }
0x28: {  	s2 =	sld [smem:$0x3F9C]  }
0x29: {  	s4 =	sld [smem:$0x3F9E]  }
0x2a: {  	p0 =	seq.s32 s5, $0x0;
	s5 =	sld [smem:$0x3F9F]  }
0x2b: {  	s6 =	sld [smem:$0x3FA0]  }
0x2c: {  	s7 =	sld [smem:$0x3FA1]  }
0x2d: {  	s3 =	simm.s32 $0x108;
	s8 =	sld [smem:$0x3FA2]  }
0x2e: {  	s3 =	simm.s32 @!p0 $0x1082;
	s9 =	sld [smem:$0x3FA3]  }
0x2f: {  	lr =	sadd.s32 s0, s3;
	s0 =	sld [smem:$0x3F9A]  }
0x30: {  	s3 =	sld [smem:$0x3F9D]  }
0x31: {  	[smem:$0x3FA6] =	sst s10  }
0x32: {  	s10 =	sld [smem:$0x3FA4];
	_ =	sdelay $0x3  }
0x33: {  	p0 =	seq.s32 s10, $0x1;
	s10 =	sld [smem:$0x3FA6];
	_ =	sdelay $0x3  }
0x34: {  	[smem:$0x3FA6] =	sst s10  }
0x35: {  	s10 =	sld [smem:$0x3FA5];
	_ =	sdelay $0x3  }
0x36: {  	p1 =	seq.s32 s10, $0x1;
	s10 =	sld [smem:$0x3FA6];
	_ =	sdelay $0x3  }
0x37: {  	[smem:$0x3FA6] =	sst s10  }
0x38: {  	s10 =	sld [smem:$0x3FA7]  }
0x39: {  	_ = 	snop;
	(pc) =	sbr.ind lr, $3  }
0x3a: {  	_ = 	snop  }
0x3b: {  	_ = 	snop  }
0x3c: {  	p2 =	seq.s32 s10, $0x1;
	s10 =	sld [smem:$0x3FA6]  }
0x3d: {  	_ =	shalt  }
0x3e: {  	_ =	shalt  }
0x3f: {  	_ =	shalt  }
0x40: {  	_ =	shalt  }
0x41: {  	_ =	shalt  }
0x42: {  	_ =	shalt  }
0x43: {  	_ =	shalt  }
0x44: {  	_ =	shalt  }
0x45: {  	_ =	shalt  }
0x46: {  	_ =	shalt  }
0x47: {  	_ =	shalt  }
0x48: {  	_ =	shalt  }
0x49: {  	_ =	shalt  }
0x4a: {  	_ =	shalt  }
0x4b: {  	_ =	shalt  }
0x4c: {  	_ =	shalt  }
0x4d: {  	_ =	shalt  }
0x4e: {  	_ =	shalt  }
0x4f: {  	_ =	shalt  }
0x50: {  	_ =	shalt  }
0x51: {  	_ =	shalt  }
0x52: {  	_ =	shalt  }
0x53: {  	_ =	shalt  }
0x54: {  	_ =	shalt  }
0x55: {  	_ =	shalt  }
0x56: {  	_ =	shalt  }
0x57: {  	_ =	shalt  }
0x58: {  	_ =	shalt  }
0x59: {  	_ =	shalt  }
0x5a: {  	_ =	shalt  }
0x5b: {  	_ =	shalt  }
0x5c: {  	_ =	shalt  }
0x5d: {  	_ =	shalt  }
0x5e: {  	_ =	shalt  }
0x5f: {  	_ =	shalt  }
0x60: {  	_ =	shalt  }
0x61: {  	_ =	shalt  }
0x62: {  	_ =	shalt  }
0x63: {  	_ =	shalt  }
0x64: {  	_ =	shalt  }
0x65: {  	_ =	shalt  }
0x66: {  	_ =	shalt  }
0x67: {  	_ =	shalt  }
0x68: {  	_ =	shalt  }
0x69: {  	_ =	shalt  }
0x6a: {  	_ =	shalt  }
0x6b: {  	_ =	shalt  }
0x6c: {  	_ =	shalt  }
0x6d: {  	_ =	shalt  }
0x6e: {  	_ =	shalt  }
0x6f: {  	_ =	shalt  }
0x70: {  	_ =	shalt  }
0x71: {  	_ =	shalt  }
0x72: {  	_ =	shalt  }
0x73: {  	_ =	shalt  }
0x74: {  	_ =	shalt  }
0x75: {  	_ =	shalt  }
0x76: {  	_ =	shalt  }
0x77: {  	_ =	shalt  }
0x78: {  	_ =	shalt  }
0x79: {  	_ =	shalt  }
0x7a: {  	_ =	shalt  }
0x7b: {  	_ =	shalt  }
0x7c: {  	_ =	shalt  }
0x7d: {  	_ =	shalt  }
0x7e: {  	_ =	shalt  }
0x7f: {  	_ =	shalt  }
0x80: {  	_ =	shalt  }
0x81: {  	_ =	shalt  }
0x82: {  	_ =	shalt  }
0x83: {  	_ =	shalt  }
0x84: {  	_ =	shalt  }
0x85: {  	_ =	shalt  }
0x86: {  	_ =	shalt  }
0x87: {  	_ =	shalt  }
.Lfunc_end0:
.L_simem_size_0:
called_computation.1_lowered:
.L_overlay_start_0:
0x88: {  	s2 =	sld [smem:$0x3FD9]  }
0x89: {  	s3 =	sld [smem:$0x3FFE];
	_ =	sdelay $0x1  }
0x8a: {  	s1 =	srdreg.scid  }
0x8b: {  	s0 =	sand.u32 $0x1, s1  }
0x8c: {  	s16 =	sshll.u32 s0, $0xA;
	s2 =	sadd.s32 s3, s2  }
0x8d: {  	s2 =	sadd.s32 s2, s16  }
0x8e: {  	[smem:$0x3FB2] =	sst s2  }
0x8f: {  	_ = 	snop  }
0x90: {  	(tm) =	ssettm $0x1  }
0x91: {  	s17 =	sld [smem:$0x3FFB];
	_ =	sdelay $0x3  }
0x92: {  	_ =	strace s17  }
0x93: {  	s2 =	sld [smem:$0x3FFC];
	_ =	sdelay $0x3  }
0x94: {  	_ =	strace s2  }
0x95: {  	s2 =	sld [smem:$0x3FFD];
	_ =	sdelay $0x3  }
0x96: {  	_ =	strace s2  }
0x97: {  	_ =	strace $0x8FFFFFFF  }
0x98: {  	s18 =	sld [smem:$0x3FDB];
	_ =	sdelay $0x1  }
0x99: {  	s19 =	simm.s32 $_scs_section_size  }
0x9a: {  	s4 =	simm.s32 $_size__tile_overlayer_lowered;
	s5 =	simm.s32 $_tile_overlayer_lowered  }
0x9b: {  	s22 =	simm.s32 $0x1BFF;
	s21 =	sshll.u32 s5, $0x1;
	s2 =	sadd.s32 s19, s18  }
0x9c: {  	s6 =	simm.s32 $0x0;
	s20 =	sshll.u32 s4, $0x1;
	s4 =	sadd.s32 s21, s2  }
0x9d: {  	[timem:s6], [sflag:s22] =	dma.local [hbm:s4], s20  }
0x9e: {  	_ =	swait.ge [sflag:s22], s20  }
0x9f: {  	s3 =	ssub.s32 $0x0, s20;
	[sflag:s22] =	ssyncset.done $0x0  }
0xa0: {  	[sflag:s22] =	ssyncadd.s32 s3;
	_ =	sdelay $0x1  }
0xa1: {  	s23 =	simm.s32 $0x1B8B  }
0xa2: {  	_ =	swait.ge [sflag:s23], $0x1  }
0xa3: {  	[sflag:s23] =	ssyncset.done $0x0  }
0xa4: {  	s25 =	simm.s32 $0x1B8E;
	s24 =	sld [smem:$0x3FFE];
	[sflag:s23] =	ssyncadd.s32 $0xFFFFFFFF  }
0xa5: {  	s26 =	simm.s32 $execute0_lowered;
	[smem:$0x3FD2] =	sst s25  }
0xa6: {  	s4 =	sshll.u32 s26, $0x1;
	_ =	strace $0x80000049;
	[dreg:$0x1] =	wrdreg $0xFFFFFFFF  }
0xa7: {  	s28 =	simm.s32 $_size_execute0_lowered;
	s2 =	sadd.s32 s2, s4;
	[dreg:$0x0] =	wrdreg $0x0  }
0xa8: {  	s4 =	sshll.u32 s28, $0x1;
	[dreg:$0x2] =	wrdreg s2  }
0xa9: {  	[dreg:$0x3] =	wrdreg s4  }
0xaa: {  	[dreg:$0x4] =	wrdreg $0xC0  }
0xab: {  	_ =	task [dreg:s6], $0x5FFFF  }
0xac: {  	[dreg:$0x1] =	wrdreg $0xFFFFFFFF  }
0xad: {  	[dreg:$0x0] =	wrdreg $0x60  }
0xae: {  	[dreg:$0x2] =	wrdreg s24  }
0xaf: {  	[dreg:$0x3] =	wrdreg $0x97A00  }
0xb0: {  	[dreg:$0x4] =	wrdreg $0x9  }
0xb1: {  	_ =	task.clear_ibuf [dreg:s6], $0x5FFFF;
	_ =	strace $0x90000049  }
0xb2: {  	s29 =	simm.s32 $0x9;
	_ =	strace $0x8000004B  }
0xb3: {  	_ =	swait.ge [sflag:s29], $0x1  }
0xb4: {  	[sflag:s29] =	ssyncadd.s32 $0xFFFFFFFF  }
0xb5: {  	_ =	strace $0x9000004B  }
0xb6: {  	_ =	sfence  }
0xb7: {  	s30 =	sld [smem:$0x0];
	_ =	sdelay $0x2  }
0xb8: {  	s31 =	sshll.u32 s1, $0xD;
	s1 =	sshrl.u32 s1, $0x2  }
0xb9: {  	s3 =	sand.u32 $0x4000, s31;
	s1 =	sadd.s32 s1, s30  }
0xba: {  	s0 =	sor.u32 s3, s0;
	s1 =	sshll.u32 s1, $0x11  }
0xbb: {  	s0 =	sor.u32 s1, s0  }
0xbc: {  	s0 =	sadd.s32 $0x8F2B, s0  }
0xbd: {  	[sflag:s0] =	ssyncadd.remote.s32 $0x1  }
0xbe: {  	_ =	sfence.sel $0xFFFF  }
0xbf: {  	[dreg:$0x0] =	wrdreg $0xFFFFFFFF;
	(pc) =	sbr.abs _section_cstart, $3  }
0xc0: {  	[dreg:$0x1] =	wrdreg $0xFFFFFFFF  }
0xc1: {  	_ =	task.clear_ibuf [dreg:s6], $0x2FFFF;
	_ =	strace $0x9FFFFFFF  }
0xc2: {  	(tm) =	ssettm $0x7FFFFFFF  }
0xc3: {  	_ =	shalt  }
tec
execute0_lowered:
.L_overlay_start_1:
0x0: {  	(tag) =	ssettag $0x1  }
0x1: {  	s0 =	rddreg [dreg:$0x0]  }
0x2: {  	s2 =	rddreg [dreg:$0x1];
	s1 =	srdreg.scid  }
0x3: {  	s12 =	stileid.u32;
	s3 =	simm.s32 $0x0;
	s28 =	simm.s32 $0x64  }
0x4: {  	s30 =	simm.s32 $0x9668;
	s31 =	simm.s32 $0x9738;
	s29 =	simm.s32 $0x1  }
0x5: {  	s1 =	sand.u32 $0x1, s1;
	s8 =	smul.u32 $0x13880, s12;
	[smem:$0x7FF] =	sst s3  }
0x6: {  	s4 =	sadd.s32 $0x548000, s0;
	s5 =	sadd.s32 $0x53DC00, s0;
	s10 =	smul.u32 $0x4E200, s12  }
0x7: {  	s6 =	smul.u32 $0x138800, s1;
	_ =	strace $0x8000004A;
	s17 =	ssub.s32 $0x2, s1  }
0x8: {  	s1 =	sshll.u32 s1, $0x4;
	s11 =	sshrl.u32 s17, $0x1;
	s10 =	sshrl.u32 s10, $0x2  }
0x9: {  	s1 =	sor.u32 s12, s1;
	s7 =	sadd.s32 s8, s6;
	s6 =	sadd.s32 $0x533800, s0  }
0xa: {  	s18 =	sadd.s32 s10, s2;
	s8 =	sadd.s32 s8, s2;
	s21 =	smul.u32 $0x28A0, s1  }
0xb: {  	s23 =	smul.u32 $0x514, s1;
	s9 =	sshrl.u32 s7, $0x3;
	s10 =	sadd.s32 $0x3200, s18  }
0xc: {  	s7 =	sadd.s32 $0x3600, s0;
	s19 =	sadd.s32 $0x6400, s18;
	[dreg:$0x3] =	wrdreg s10  }
0xd: {  	s20 =	sadd.s32 $0x9600, s18;
	s13 =	sadd.s32 $0xC800, s18;
	[dreg:$0x4] =	wrdreg s19  }
0xe: {  	s22 =	sadd.s32 $0xFA00, s18;
	s0 =	sadd.s32 s9, s0;
	[dreg:$0x5] =	wrdreg s20  }
0xf: {  	s9 =	ssub.s32 s17, s11;
	s10 =	smul.u32 $0x64, s1;
	[dreg:$0x6] =	wrdreg s13  }
0x10: {  	[dreg:$0x7] =	wrdreg s22;
	s11 =	sadd.s32 $0x12C00, s18;
	s24 =	sadd.s32 $0x68, s21  }
0x11: {  	s1 =	smul.u32 $0x27100, s1;
	s25 =	sadd.s32 s5, s23;
	[dreg:$0x8] =	wrdreg s11  }
0x12: {  	s26 =	sadd.s32 s6, s23;
	s23 =	simm.s32 $0x6;
	[dreg:$0x9] =	wrdreg s25  }
.Ltmp0:
0x13: {  	[dreg:$0xa] =	wrdreg s26;
	s11 =	sshrl.u32 s24, $0x3;
	(pc) =	sbr.rel .LBB2_1-.Ltmp0, $4  }
0x14: {  	s21 =	sadd.s32 $0x2A800, s0;
	s22 =	smax.u32 s9, $0x1;
	s24 =	simm.s32 $0x9600  }
0x15: {  	s25 =	simm.s32 $0x96D0;
	s26 =	simm.s32 $0x2;
	s0 =	simm.s32 $0x3  }
0x16: {  	s9 =	simm.s32 $0x6400;
	s18 =	sadd.s32 s5, s11;
	s19 =	sadd.s32 s6, s11  }
0x17: {  	v0 =	vimm.f32 $0.0e+00;
	s20 =	sadd.s32 s4, s1;
	s1 =	simm.s32 $0x4;
	s11 =	simm.s32 $0x0  }
.LBB2_10:
0x18: {  	s12 =	stileid.u32;
	s11 =	sadd.s32 $0x1, s11  }
0x19: {  	[bflag:$0x0] =	sbarrier.arrive $0xFFFF;
	s12 =	sshll.u32 s12, $0x6;
	p0 =	sne.s32 s11, s22  }
.Ltmp1:
0x1a: {  	s13 =	sshrl.u32 s8, $0x3;
	s12 =	sor.u32 $0x1C06, s12;
	(pc) =	sbr.rel @!p0 .LBB2_11-.Ltmp1, $4  }
0x1b: {  	[hbm:s21], [sflag:s12] =	dma.local [spmem:s13], $0x2710  }
0x1c: {  	_ =	swait.ge [sflag:s23], $0x2710  }
0x1d: {  	[sflag:s23] =	ssyncset.done $0x0  }
0x1e: {  	[sflag:s23] =	ssyncadd.s32 $0xFFFFD8F0  }
.LBB2_1:
0x1f: {  	s12 =	simm.s32 $0x0;
	s13 =	simm.s32 $0x200  }
.LBB2_2:
0x20: {  	p0 =	sne.s32 s13, $0xC600;
	[tilespmem:s12+$0x70] =	vst v0  }
0x21: {  	[tilespmem:s12+$0x0] =	vst v0  }
0x22: {  	[tilespmem:s12+$0x10] =	vst v0  }
.Ltmp2:
0x23: {  	[tilespmem:s12+$0x20] =	vst v0;
	(pc) =	sbr.rel @p0 .LBB2_2-.Ltmp2, $4  }
0x24: {  	[tilespmem:s12+$0x30] =	vst v0  }
0x25: {  	[tilespmem:s12+$0x40] =	vst v0  }
0x26: {  	[tilespmem:s12+$0x50] =	vst v0  }
0x27: {  	[tilespmem:s12+$0x60] =	vst v0;
	s12 =	sshra.s32 s13, $0x2;
	s13 =	sadd.s32 $0x200, s13  }
0x28: {  	[tilespmem:s12+$0x70] =	vst v0  }
0x29: {  	[tilespmem:s12+$0x0] =	vst v0  }
0x2a: {  	[tilespmem:s12+$0x10] =	vst v0  }
0x2b: {  	[tilespmem:s12+$0x20] =	vst v0  }
0x2c: {  	[tilespmem:s12+$0x30] =	vst v0  }
0x2d: {  	[tilespmem:s12+$0x40] =	vst v0  }
0x2e: {  	[tilespmem:s12+$0x50] =	vst v0  }
0x2f: {  	[tilespmem:s12+$0x60] =	vst v0;
	s12 =	simm.s32 $0x0  }
0x30: {  	[spmem:s8] =	stream.linear.scatter [tilespmem:s12], [sflag:$0x6], $0x3200, $0x38;
	[tilespmem:$0x1D020] =	vst v63  }
0x31: {  	_ =	swait.ge [sflag:s23], $0x3200  }
0x32: {  	[sflag:s23] =	ssyncset.done $0x0  }
0x33: {  	s13 =	rddreg [dreg:$0x3];
	[sflag:s23] =	ssyncadd.s32 $0xFFFFCE00  }
0x34: {  	[spmem:s13] =	stream.linear.scatter [tilespmem:s12], [sflag:$0x6], $0x3200, $0x38;
	[tilespmem:$0x1D020] =	vst v63  }
0x35: {  	_ =	swait.ge [sflag:s23], $0x3200  }
0x36: {  	[sflag:s23] =	ssyncset.done $0x0  }
0x37: {  	s14 =	rddreg [dreg:$0x4];
	[sflag:s23] =	ssyncadd.s32 $0xFFFFCE00  }
0x38: {  	[spmem:s14] =	stream.linear.scatter [tilespmem:s12], [sflag:$0x6], $0x3200, $0x38;
	[tilespmem:$0x1D020] =	vst v63  }
0x39: {  	_ =	swait.ge [sflag:s23], $0x3200  }
0x3a: {  	[sflag:s23] =	ssyncset.done $0x0  }
0x3b: {  	s15 =	rddreg [dreg:$0x5];
	[sflag:s23] =	ssyncadd.s32 $0xFFFFCE00  }
0x3c: {  	[spmem:s15] =	stream.linear.scatter [tilespmem:s12], [sflag:$0x6], $0x3200, $0x38;
	[tilespmem:$0x1D020] =	vst v63  }
0x3d: {  	_ =	swait.ge [sflag:s23], $0x3200  }
0x3e: {  	[sflag:s23] =	ssyncset.done $0x0  }
0x3f: {  	s16 =	rddreg [dreg:$0x6];
	[sflag:s23] =	ssyncadd.s32 $0xFFFFCE00  }
0x40: {  	[spmem:s16] =	stream.linear.scatter [tilespmem:s12], [sflag:$0x6], $0x3200, $0x38;
	[tilespmem:$0x1D020] =	vst v63  }
0x41: {  	_ =	swait.ge [sflag:s23], $0x3200  }
0x42: {  	[sflag:s23] =	ssyncset.done $0x0  }
0x43: {  	s17 =	rddreg [dreg:$0x7];
	[sflag:s23] =	ssyncadd.s32 $0xFFFFCE00  }
0x44: {  	[spmem:s17] =	stream.linear.scatter [tilespmem:s12], [sflag:$0x6], $0x3200, $0x38;
	[tilespmem:$0x1D020] =	vst v63  }
0x45: {  	_ =	swait.ge [sflag:s23], $0x3200  }
0x46: {  	[sflag:s23] =	ssyncset.done $0x0  }
0x47: {  	s14 =	rddreg [dreg:$0x8];
	[sflag:s23] =	ssyncadd.s32 $0xFFFFCE00  }
0x48: {  	[spmem:s14] =	stream.linear.scatter [tilespmem:s12], [sflag:$0x6], $0xC80, $0x38;
	[tilespmem:$0x1D020] =	vst v63  }
0x49: {  	_ =	swait.ge [sflag:s23], $0xC80  }
0x4a: {  	[sflag:s23] =	ssyncset.done $0x0  }
0x4b: {  	[sflag:s23] =	ssyncadd.s32 $0xFFFFF380  }
0x4c: {  	[bflag:$0x0] =	sbarrier.arrive $0xFFFF  }
0x4d: {  	s15 =	rddreg [dreg:$0x9]  }
0x4e: {  	[tilespmem:s24], [sflag:$0x2] =	stream.linear.gather [hbm4b:s15+s12], $0x68, $0x38;
	[tilespmem:$0x1D020] =	vst v63  }
0x4f: {  	s16 =	rddreg [dreg:$0xa]  }
0x50: {  	[tilespmem:s25], [sflag:$0x2] =	stream.linear.gather [hbm4b:s16+s12], $0x68, $0x38;
	[tilespmem:$0x1D020] =	vst v63  }
0x51: {  	_ =	swait.ge [sflag:s26], $0x68  }
0x52: {  	[sflag:s26] =	ssyncset.done $0x0  }
0x53: {  	[sflag:s26] =	ssyncadd.s32 $0xFFFFFF98  }
0x54: {  	_ =	swait.ge [sflag:s26], $0x68  }
0x55: {  	[sflag:s26] =	ssyncset.done $0x0  }
0x56: {  	s17 =	simm.s32 $0x3200;
	[sflag:s26] =	ssyncadd.s32 $0xFFFFFF98  }
0x57: {  	[tilespmem:s17], [sflag:$0x4] =	stream.indirect.gather [hbm4b:s7+s28], $0x80, s24, s28, $0xb8;
	[tilespmem:$0x1D020] =	vst v63  }
0x58: {  	_ = 	snop  }
0x59: {  	[tilespmem:s30], [sflag:$0x3] =	stream.linear.gather [hbm4b:s18+s12], $0x68, $0x38;
	[tilespmem:$0x1D020] =	vst v63  }
0x5a: {  	_ = 	snop  }
0x5b: {  	[tilespmem:s31], [sflag:$0x3] =	stream.linear.gather [hbm4b:s19+s12], $0x68, $0x38;
	[tilespmem:$0x1D020] =	vst v63  }
0x5c: {  	_ = 	snop  }
0x5d: {  	[tilespmem:s12], [sflag:$0x1] =	stream.linear.gather [hbm4b:s20+s12], $0x3200, $0x38;
	[tilespmem:$0x1D020] =	vst v63  }
.LBB2_4:
0x5e: {  	_ =	swait.ge [sflag:s0], $0x68  }
0x5f: {  	[sflag:s0] =	ssyncset.done $0x0  }
0x60: {  	[sflag:s0] =	ssyncadd.s32 $0xFFFFFF98  }
0x61: {  	_ =	swait.ge [sflag:s0], $0x68  }
0x62: {  	[sflag:s0] =	ssyncset.done $0x0  }
0x63: {  	[sflag:s0] =	ssyncadd.s32 $0xFFFFFF98  }
0x64: {  	_ =	swait.ge [sflag:s1], $0x3200  }
0x65: {  	[sflag:s1] =	ssyncset.done $0x0  }
0x66: {  	[sflag:s1] =	ssyncadd.s32 $0xFFFFCE00  }
0x67: {  	_ =	swait.ge [sflag:s29], $0x3200  }
0x68: {  	[sflag:s29] =	ssyncset.done $0x0  }
0x69: {  	s13 =	simm.s32 $0x0;
	[sflag:s29] =	ssyncadd.s32 $0xFFFFCE00  }
0x6a: {  	[tilespmem:s9], [sflag:$0x5] =	stream.indirect.gather [hbm4b:s7+s28], $0x80, s30, s28, $0xb8;
	[tilespmem:$0x1D020] =	vst v63  }
0x6b: {  	v8 =	vld [tilespmem:s13+$0x3200]  }
0x6c: {  	v12 =	vld [tilespmem:s13+$0x3210]  }
0x6d: {  	v6 =	vld [tilespmem:s13+$0x3220]  }
0x6e: {  	v5 =	vld [tilespmem:s13+$0x3230]  }
0x6f: {  	v4 =	vld [tilespmem:s13+$0x3240]  }
0x70: {  	v3 =	vld [tilespmem:s13+$0x3250]  }
0x71: {  	v2 =	vld [tilespmem:s13+$0x3260]  }
0x72: {  	v1 =	vld [tilespmem:s13+$0x3270]  }
0x73: {  	v13 =	vld [tilespmem:s13+$0x0]  }
0x74: {  	v14 =	vld [tilespmem:s13+$0x10]  }
0x75: {  	v11 =	vld [tilespmem:s13+$0x20]  }
0x76: {  	v10 =	vld [tilespmem:s13+$0x30]  }
0x77: {  	v9 =	vld [tilespmem:s13+$0x40]  }
0x78: {  	v7 =	vld [tilespmem:s13+$0x50];
	v13 =	vmul.f32 v8, v13  }
0x79: {  	s14 =	simm.s32 $0x200;
	v12 =	vmul.f32 v12, v14;
	v8 =	vld [tilespmem:s13+$0x60]  }
.LBB2_5:
0x7a: {  	s15 =	sshra.s32 s14, $0x2;
	p0 =	sne.s32 s14, $0xC600;
	[tilespmem:s13+$0x0] =	vst v13;
	v6 =	vmul.f32 v6, v11;
	v11 =	vld [tilespmem:s13+$0x70]  }
0x7b: {  	v13 =	vld [tilespmem:s15+$0x3200];
	[tilespmem:s13+$0x10] =	vst v12;
	v5 =	vmul.f32 v5, v10  }
0x7c: {  	v12 =	vld [tilespmem:s15+$0x3210];
	[tilespmem:s13+$0x20] =	vst v6;
	v4 =	vmul.f32 v4, v9  }
0x7d: {  	v6 =	vld [tilespmem:s15+$0x3220];
	[tilespmem:s13+$0x30] =	vst v5;
	v3 =	vmul.f32 v3, v7  }
0x7e: {  	v5 =	vld [tilespmem:s15+$0x3230];
	[tilespmem:s13+$0x40] =	vst v4;
	v2 =	vmul.f32 v2, v8  }
0x7f: {  	v4 =	vld [tilespmem:s15+$0x3240];
	[tilespmem:s13+$0x50] =	vst v3;
	v1 =	vmul.f32 v1, v11  }
0x80: {  	v3 =	vld [tilespmem:s15+$0x3250];
	[tilespmem:s13+$0x60] =	vst v2  }
0x81: {  	v2 =	vld [tilespmem:s15+$0x3260];
	[tilespmem:s13+$0x70] =	vst v1;
	s13 =	smov.u32 s15  }
0x82: {  	v1 =	vld [tilespmem:s13+$0x3270]  }
0x83: {  	v7 =	vld [tilespmem:s13+$0x0]  }
0x84: {  	v8 =	vld [tilespmem:s13+$0x10]  }
.Ltmp3:
0x85: {  	v11 =	vld [tilespmem:s13+$0x20];
	(pc) =	sbr.rel @p0 .LBB2_5-.Ltmp3, $4  }
0x86: {  	v10 =	vld [tilespmem:s13+$0x30]  }
0x87: {  	v9 =	vld [tilespmem:s13+$0x40]  }
0x88: {  	v13 =	vmul.f32 v13, v7;
	v7 =	vld [tilespmem:s13+$0x50]  }
0x89: {  	s14 =	sadd.s32 $0x200, s14;
	v12 =	vmul.f32 v12, v8;
	v8 =	vld [tilespmem:s13+$0x60]  }
0x8a: {  	[tilespmem:s13+$0x0] =	vst v13;
	v6 =	vmul.f32 v6, v11;
	v11 =	vld [tilespmem:s13+$0x70]  }
0x8b: {  	[tilespmem:s13+$0x10] =	vst v12;
	v5 =	vmul.f32 v5, v10  }
0x8c: {  	[tilespmem:s13+$0x20] =	vst v6;
	v4 =	vmul.f32 v4, v9  }
0x8d: {  	[tilespmem:s13+$0x30] =	vst v5;
	v3 =	vmul.f32 v3, v7  }
0x8e: {  	[tilespmem:s13+$0x40] =	vst v4;
	v2 =	vmul.f32 v2, v8  }
0x8f: {  	[tilespmem:s13+$0x50] =	vst v3;
	v1 =	vmul.f32 v1, v11  }
0x90: {  	s16 =	sshll.u32 s12, $0x1;
	[tilespmem:s13+$0x60] =	vst v2  }
0x91: {  	p0 =	seq.s32 s12, $0x31;
	[tilespmem:s13+$0x70] =	vst v1;
	s13 =	sadd.s32 s10, s16  }
0x92: {  	s17 =	simm.s32 @!p0 $0x9600;
	s14 =	smul.u32 @!p0 $0x68, s13  }
0x93: {  	[spmem:s2] =	stream.indirect.scatter.add.f32 [tilespmem:s3], [sflag:$0x6], $0x80, s25, s28, $0xb8;
	[tilespmem:$0x1D020] =	vst v63  }
0x94: {  	s13 =	smul.u32 $0x3200, s13;
	_ =	swait.ge [sflag:s23], $0x3200;
	s14 =	sshrl.u32 @!p0 s14, $0x3  }
0x95: {  	s16 =	simm.s32 @!p0 $0x0;
	[sflag:s23] =	ssyncset.done $0x0;
	s14 =	sadd.s32 @!p0 $0x1A, s14  }
0x96: {  	s13 =	sshrl.u32 s13, $0x3;
	[sflag:s23] =	ssyncadd.s32 $0xFFFFCE00;
	s15 =	sadd.s32 @!p0 s5, s14  }
0x97: {  	[tilespmem:s17], [sflag:$0x2] =	stream.linear.gather @!p0 [hbm4b:s15+s16], $0x68, $0x38;
	[tilespmem:$0x1D020] =	vst v63  }
0x98: {  	s13 =	sadd.s32 s4, s13;
	s14 =	sadd.s32 @!p0 s6, s14;
	s15 =	simm.s32 @!p0 $0x96D0  }
0x99: {  	[tilespmem:s15], [sflag:$0x2] =	stream.linear.gather @!p0 [hbm4b:s14+s16], $0x68, $0x38;
	[tilespmem:$0x1D020] =	vst v63  }
0x9a: {  	s13 =	sadd.s32 $0x640, s13  }
0x9b: {  	[tilespmem:s3], [sflag:$0x1] =	stream.linear.gather [hbm4b:s13+s3], $0x3200, $0x38;
	[tilespmem:$0x1D020] =	vst v63  }
0x9c: {  	s13 =	simm.s32 @p0 $0x5  }
0x9d: {  	_ =	swait.ge @p0 [sflag:s13], $0x3200  }
0x9e: {  	[sflag:s13] =	ssyncset.done @p0 $0x0  }
0x9f: {  	[sflag:s13] =	ssyncadd.s32 @p0 $0xFFFFCE00;
	s13 =	simm.s32 @p0 $0x1  }
0xa0: {  	_ =	swait.ge @p0 [sflag:s13], $0x3200  }
0xa1: {  	[sflag:s13] =	ssyncset.done @p0 $0x0  }
0xa2: {  	[sflag:s13] =	ssyncadd.s32 @p0 $0xFFFFCE00;
	s13 =	simm.s32 @!p0 $0x2  }
0xa3: {  	_ =	swait.ge @!p0 [sflag:s13], $0x68  }
0xa4: {  	[sflag:s13] =	ssyncset.done @!p0 $0x0  }
0xa5: {  	[sflag:s13] =	ssyncadd.s32 @!p0 $0xFFFFFF98  }
0xa6: {  	_ =	swait.ge @!p0 [sflag:s13], $0x68  }
0xa7: {  	[sflag:s13] =	ssyncset.done @!p0 $0x0  }
0xa8: {  	[sflag:s13] =	ssyncadd.s32 @!p0 $0xFFFFFF98;
	s13 =	simm.s32 @!p0 $0x5  }
0xa9: {  	_ =	swait.ge @!p0 [sflag:s13], $0x3200  }
0xaa: {  	[sflag:s13] =	ssyncset.done @!p0 $0x0  }
0xab: {  	[sflag:s13] =	ssyncadd.s32 @!p0 $0xFFFFCE00;
	s13 =	simm.s32 @!p0 $0x1  }
0xac: {  	_ =	swait.ge @!p0 [sflag:s13], $0x3200  }
0xad: {  	[sflag:s13] =	ssyncset.done @!p0 $0x0  }
0xae: {  	s14 =	simm.s32 @!p0 $0x3200;
	[sflag:s13] =	ssyncadd.s32 @!p0 $0xFFFFCE00;
	s13 =	simm.s32 @!p0 $0x64  }
0xaf: {  	[tilespmem:s14], [sflag:$0x4] =	stream.indirect.gather @!p0 [hbm4b:s7+s13], $0x80, s17, s13, $0xb8;
	[tilespmem:$0x1D020] =	vst v63  }
0xb0: {  	s13 =	simm.s32 $0x0  }
0xb1: {  	v9 =	vld [tilespmem:s13+$0x6400]  }
0xb2: {  	v12 =	vld [tilespmem:s13+$0x6410]  }
0xb3: {  	v6 =	vld [tilespmem:s13+$0x6420]  }
0xb4: {  	v5 =	vld [tilespmem:s13+$0x6430]  }
0xb5: {  	v4 =	vld [tilespmem:s13+$0x6440]  }
0xb6: {  	v3 =	vld [tilespmem:s13+$0x6450]  }
0xb7: {  	v2 =	vld [tilespmem:s13+$0x6460]  }
0xb8: {  	v1 =	vld [tilespmem:s13+$0x6470]  }
0xb9: {  	v13 =	vld [tilespmem:s13+$0x0]  }
0xba: {  	v14 =	vld [tilespmem:s13+$0x10]  }
0xbb: {  	v11 =	vld [tilespmem:s13+$0x20]  }
0xbc: {  	v10 =	vld [tilespmem:s13+$0x30]  }
0xbd: {  	v8 =	vld [tilespmem:s13+$0x40]  }
0xbe: {  	s17 =	sshllo.u32 s12, $0x1;
	v7 =	vld [tilespmem:s13+$0x50];
	v13 =	vmul.f32 v9, v13  }
0xbf: {  	s15 =	simm.s32 $0x200;
	s14 =	sadd.s32 s10, s17;
	v12 =	vmul.f32 v12, v14;
	v9 =	vld [tilespmem:s13+$0x60]  }
.LBB2_7:
0xc0: {  	s16 =	sshra.s32 s15, $0x2;
	p1 =	sne.s32 s15, $0xC600;
	[tilespmem:s13+$0x0] =	vst v13;
	v6 =	vmul.f32 v6, v11;
	v11 =	vld [tilespmem:s13+$0x70]  }
0xc1: {  	v13 =	vld [tilespmem:s16+$0x6400];
	[tilespmem:s13+$0x10] =	vst v12;
	v5 =	vmul.f32 v5, v10  }
0xc2: {  	v12 =	vld [tilespmem:s16+$0x6410];
	[tilespmem:s13+$0x20] =	vst v6;
	v4 =	vmul.f32 v4, v8  }
0xc3: {  	v6 =	vld [tilespmem:s16+$0x6420];
	[tilespmem:s13+$0x30] =	vst v5;
	v3 =	vmul.f32 v3, v7  }
0xc4: {  	v5 =	vld [tilespmem:s16+$0x6430];
	[tilespmem:s13+$0x40] =	vst v4;
	v2 =	vmul.f32 v2, v9  }
0xc5: {  	v4 =	vld [tilespmem:s16+$0x6440];
	[tilespmem:s13+$0x50] =	vst v3;
	v1 =	vmul.f32 v1, v11  }
0xc6: {  	v3 =	vld [tilespmem:s16+$0x6450];
	[tilespmem:s13+$0x60] =	vst v2  }
0xc7: {  	v2 =	vld [tilespmem:s16+$0x6460];
	[tilespmem:s13+$0x70] =	vst v1;
	s13 =	smov.u32 s16  }
0xc8: {  	v1 =	vld [tilespmem:s13+$0x6470]  }
0xc9: {  	v7 =	vld [tilespmem:s13+$0x0]  }
0xca: {  	v9 =	vld [tilespmem:s13+$0x10]  }
.Ltmp4:
0xcb: {  	v11 =	vld [tilespmem:s13+$0x20];
	(pc) =	sbr.rel @p1 .LBB2_7-.Ltmp4, $4  }
0xcc: {  	v10 =	vld [tilespmem:s13+$0x30]  }
0xcd: {  	v8 =	vld [tilespmem:s13+$0x40]  }
0xce: {  	v13 =	vmul.f32 v13, v7;
	v7 =	vld [tilespmem:s13+$0x50]  }
0xcf: {  	s15 =	sadd.s32 $0x200, s15;
	v12 =	vmul.f32 v12, v9;
	v9 =	vld [tilespmem:s13+$0x60]  }
0xd0: {  	[tilespmem:s13+$0x0] =	vst v13;
	v6 =	vmul.f32 v6, v11;
	v63 =	vld [tilespmem:s13+$0x70]  }
0xd1: {  	[tilespmem:s13+$0x10] =	vst v12;
	v5 =	vmul.f32 v5, v10  }
0xd2: {  	[tilespmem:s13+$0x20] =	vst v6;
	v4 =	vmul.f32 v4, v8  }
0xd3: {  	[tilespmem:s13+$0x30] =	vst v5;
	v3 =	vmul.f32 v3, v7  }
0xd4: {  	[tilespmem:s13+$0x40] =	vst v4;
	v2 =	vmul.f32 v2, v9  }
0xd5: {  	[tilespmem:s13+$0x50] =	vst v3;
	v1 =	vmul.f32 v1, v63  }
0xd6: {  	[tilespmem:s13+$0x60] =	vst v2  }
.Ltmp5:
0xd7: {  	[tilespmem:s13+$0x70] =	vst v1;
	(pc) =	sbr.rel @p0 .LBB2_10-.Ltmp5, $4  }
0xd8: {  	[spmem:s2] =	stream.indirect.scatter.add.f32 [tilespmem:s3], [sflag:$0x6], $0x80, s31, s28, $0xb8;
	[tilespmem:$0x1D020] =	vst v63  }
0xd9: {  	_ =	swait.ge [sflag:s23], $0x3200  }
0xda: {  	[sflag:s23] =	ssyncset.done $0x0  }
0xdb: {  	[sflag:s23] =	ssyncadd.s32 $0xFFFFCE00  }
0xdc: {  	s13 =	smul.u32 $0x68, s14;
	_ =	sdelay $0x1  }
0xdd: {  	s13 =	sshrl.u32 s13, $0x3  }
0xde: {  	s13 =	sadd.s32 $0x1A, s13  }
0xdf: {  	s16 =	smul.u32 $0x3200, s14;
	s15 =	sadd.s32 s5, s13  }
0xe0: {  	[tilespmem:s30], [sflag:$0x3] =	stream.linear.gather [hbm4b:s15+s3], $0x68, $0x38;
	[tilespmem:$0x1D020] =	vst v63  }
.Ltmp6:
0xe1: {  	s17 =	sshrl.u32 s16, $0x3;
	s13 =	sadd.s32 s6, s13;
	(pc) =	sbr.rel .LBB2_4-.Ltmp6, $4  }
0xe2: {  	[tilespmem:s31], [sflag:$0x3] =	stream.linear.gather [hbm4b:s13+s3], $0x68, $0x38;
	[tilespmem:$0x1D020] =	vst v63  }
0xe3: {  	s13 =	sadd.s32 s4, s17  }
0xe4: {  	s12 =	sadd.s32 $0x1, s12;
	s13 =	sadd.s32 $0x640, s13  }
0xe5: {  	[tilespmem:s3], [sflag:$0x1] =	stream.linear.gather [hbm4b:s13+s3], $0x3200, $0x38;
	[tilespmem:$0x1D020] =	vst v63  }
.LBB2_11:
0xe6: {  	_ =	sfence.sel $0x180000  }
0xe7: {  	[bflag:$0x0] =	sbarrier.arrive $0xFFFF  }
0xe8: {  	_ =	strace $0x9000004A  }
0xe9: {  	s0 =	stileid.u32;
	[bflag:$0x2] =	sbarrier.arrive $0xFFFF  }
0xea: {  	p0 =	sne.s32 s0, $0x0;
	s0 =	rddreg [dreg:$0x2]  }
0xeb: {  	s0 =	sadd.s32 @!p0 $0x100000, s0  }
0xec: {  	[sflag:s0] =	ssyncadd.tile.s32 @!p0 $0x1;
	_ =	shalt  }
.Lfunc_end2:
_tile_overlayer_lowered:
.L_overlay_start_2:
0xed: {  	(tag) =	ssettag $0x2  }
0xee: {  	s0 =	rddreg [dreg:$0x0];
	s2 =	stileid.u32  }
0xef: {  	s1 =	rddreg [dreg:$0x1];
	p0 =	sne.s32 s2, $0x0  }
0xf0: {  	s3 =	rddreg [dreg:$0x2];
	[bflag:$0x3] =	sbarrier.arrive $0xFFFF;
	s2 =	simm.s32 @!p0 $0x1C06  }
0xf1: {  	[timem:s3], [sflag:s2] =	dma.local @!p0 [hbm:s0], s1  }
0xf2: {  	s0 =	simm.s32 @!p0 $0x6  }
0xf3: {  	_ =	swait.ge @!p0 [sflag:s0], s1  }
0xf4: {  	s1 =	ssub.s32 @!p0 $0x0, s1;
	[sflag:s0] =	ssyncset.done @!p0 $0x0  }
0xf5: {  	[sflag:s0] =	ssyncadd.s32 @!p0 s1  }
0xf6: {  	[bflag:$0x3] =	sbarrier.arrive $0xFFFF  }
0xf7: {  	_ =	shalt  }

// kernel: kernel.7.cloned.1.call-start
scs
__scs_entry_jumppad:
0x0: {  	(pc) =	sbr.rel $0x88, $3  }
0x1: {  	(tag) =	ssettag $0x0;
	lr =	simm.s32 $0x1  }
0x2: {  	[smem:$0x3F8B] =	sst lr;
	_ =	strace $0xD0000000  }
0x3: {  	_ = 	snop  }
0x4: {  	_ = 	snop  }
0x5: {  	_ = 	snop  }
0x6: {  	_ = 	snop  }
0x7: {  	_ = 	snop  }
__scs_overlays_trampoline_lowered:
0x8: {  	[smem:$0x3F9A] =	sst s0  }
0x9: {  	[smem:$0x3F9B] =	sst s1  }
0xa: {  	[smem:$0x3F9C] =	sst s2  }
0xb: {  	[smem:$0x3F9D] =	sst s3  }
0xc: {  	[smem:$0x3F9E] =	sst s4  }
0xd: {  	[smem:$0x3F9F] =	sst s5  }
0xe: {  	[smem:$0x3FA0] =	sst s6  }
0xf: {  	[smem:$0x3FA1] =	sst s7  }
0x10: {  	[smem:$0x3FA2] =	sst s8  }
0x11: {  	[smem:$0x3FA3] =	sst s9;
	s0 =	simm.s32 @!p0 $0x0  }
0x12: {  	s1 =	sld [smem:$0x3F89];
	s0 =	simm.s32 @p0 $0x1  }
0x13: {  	[smem:$0x3FA4] =	sst s0;
	s0 =	simm.s32 @!p1 $0x0  }
0x14: {  	s2 =	sld [smem:$0x3F88];
	s0 =	simm.s32 @p1 $0x1  }
0x15: {  	[smem:$0x3FA5] =	sst s0;
	s0 =	simm.s32 @!p2 $0x0  }
0x16: {  	s3 =	sld [smem:$0x3FDB];
	s0 =	simm.s32 @p2 $0x1  }
0x17: {  	s4 =	simm.s32 $0x1BF5;
	[smem:$0x3FA7] =	sst s0  }
0x18: {  	s0 =	sld [smem:$0x3F8A];
	_ =	swait.ge [sflag:s4], $0x0  }
0x19: {  	s7 =	sld [smem:$0x3F8B]  }
0x1a: {  	s8 =	sadd.s32 $0xFFFFE003, lr  }
0x1b: {  	s9 =	sadd.s32 $0xFFFFFEF7, lr;
	s5 =	simm.s32 $0xFFFFFFFF;
	p2 =	slt.u32 s8, $0xFFFFF086  }
0x1c: {  	p1 =	slt.u32 s9, $0xF7A;
	s5 =	simm.s32 @!p2 $0x0  }
0x1d: {  	s5 =	simm.s32 @p1 $0x1;
	p0 =	seq.s32 s7, s2  }
0x1e: {  	s7 =	smul.u32 @!p0 $0xF7A, s2;
	p2 =	seq.s32 @!p0 s5, $0x0  }
0x1f: {  	s9 =	smul.u32 $0xF7A, s1;
	s8 =	simm.s32 @!p0 $0x1BF5;
	p2 =	por !p2, p0  }
0x20: {  	[sflag:s8] =	ssyncset.s32 @!p0 $0xFFFFF086;
	s6 =	sadd.s32 @!p0 s3, s7;
	s7 =	simm.s32 @!p0 $0x108  }
0x21: {  	s3 =	sadd.s32 s3, s9;
	s6 =	sadd.s32 @!p0 $0x88, s6;
	s7 =	simm.s32 @p2 $0x1082  }
0x22: {  	[simem:s7], [sflag:s8] =	dma.local @!p0 [hbm:s6], $0xF7A  }
0x23: {  	s9 =	sor.u32 $0xD0000000, s2;
	s6 =	simm.s32 $0x108;
	_ =	swait.ge @!p0 [sflag:s8], $0x0  }
0x24: {  	s3 =	sadd.s32 $0x88, s3;
	s6 =	simm.s32 @!p1 $0x1082;
	[sflag:s4] =	ssyncset.s32 $0xFFFFF086  }
0x25: {  	[simem:s6], [sflag:s4] =	dma.local [hbm:s3], $0xF7A  }
0x26: {  	[smem:$0x3F8B] =	sst s1;
	(tag) =	ssettag s2;
	_ =	strace s9  }
0x27: {  	s1 =	sld [smem:$0x3F9B]  }
0x28: {  	s2 =	sld [smem:$0x3F9C]  }
0x29: {  	s4 =	sld [smem:$0x3F9E]  }
0x2a: {  	p0 =	seq.s32 s5, $0x0;
	s5 =	sld [smem:$0x3F9F]  }
0x2b: {  	s6 =	sld [smem:$0x3FA0]  }
0x2c: {  	s7 =	sld [smem:$0x3FA1]  }
0x2d: {  	s3 =	simm.s32 $0x108;
	s8 =	sld [smem:$0x3FA2]  }
0x2e: {  	s3 =	simm.s32 @!p0 $0x1082;
	s9 =	sld [smem:$0x3FA3]  }
0x2f: {  	lr =	sadd.s32 s0, s3;
	s0 =	sld [smem:$0x3F9A]  }
0x30: {  	s3 =	sld [smem:$0x3F9D]  }
0x31: {  	[smem:$0x3FA6] =	sst s10  }
0x32: {  	s10 =	sld [smem:$0x3FA4];
	_ =	sdelay $0x3  }
0x33: {  	p0 =	seq.s32 s10, $0x1;
	s10 =	sld [smem:$0x3FA6];
	_ =	sdelay $0x3  }
0x34: {  	[smem:$0x3FA6] =	sst s10  }
0x35: {  	s10 =	sld [smem:$0x3FA5];
	_ =	sdelay $0x3  }
0x36: {  	p1 =	seq.s32 s10, $0x1;
	s10 =	sld [smem:$0x3FA6];
	_ =	sdelay $0x3  }
0x37: {  	[smem:$0x3FA6] =	sst s10  }
0x38: {  	s10 =	sld [smem:$0x3FA7]  }
0x39: {  	_ = 	snop;
	(pc) =	sbr.ind lr, $3  }
0x3a: {  	_ = 	snop  }
0x3b: {  	_ = 	snop  }
0x3c: {  	p2 =	seq.s32 s10, $0x1;
	s10 =	sld [smem:$0x3FA6]  }
0x3d: {  	_ =	shalt  }
0x3e: {  	_ =	shalt  }
0x3f: {  	_ =	shalt  }
0x40: {  	_ =	shalt  }
0x41: {  	_ =	shalt  }
0x42: {  	_ =	shalt  }
0x43: {  	_ =	shalt  }
0x44: {  	_ =	shalt  }
0x45: {  	_ =	shalt  }
0x46: {  	_ =	shalt  }
0x47: {  	_ =	shalt  }
0x48: {  	_ =	shalt  }
0x49: {  	_ =	shalt  }
0x4a: {  	_ =	shalt  }
0x4b: {  	_ =	shalt  }
0x4c: {  	_ =	shalt  }
0x4d: {  	_ =	shalt  }
0x4e: {  	_ =	shalt  }
0x4f: {  	_ =	shalt  }
0x50: {  	_ =	shalt  }
0x51: {  	_ =	shalt  }
0x52: {  	_ =	shalt  }
0x53: {  	_ =	shalt  }
0x54: {  	_ =	shalt  }
0x55: {  	_ =	shalt  }
0x56: {  	_ =	shalt  }
0x57: {  	_ =	shalt  }
0x58: {  	_ =	shalt  }
0x59: {  	_ =	shalt  }
0x5a: {  	_ =	shalt  }
0x5b: {  	_ =	shalt  }
0x5c: {  	_ =	shalt  }
0x5d: {  	_ =	shalt  }
0x5e: {  	_ =	shalt  }
0x5f: {  	_ =	shalt  }
0x60: {  	_ =	shalt  }
0x61: {  	_ =	shalt  }
0x62: {  	_ =	shalt  }
0x63: {  	_ =	shalt  }
0x64: {  	_ =	shalt  }
0x65: {  	_ =	shalt  }
0x66: {  	_ =	shalt  }
0x67: {  	_ =	shalt  }
0x68: {  	_ =	shalt  }
0x69: {  	_ =	shalt  }
0x6a: {  	_ =	shalt  }
0x6b: {  	_ =	shalt  }
0x6c: {  	_ =	shalt  }
0x6d: {  	_ =	shalt  }
0x6e: {  	_ =	shalt  }
0x6f: {  	_ =	shalt  }
0x70: {  	_ =	shalt  }
0x71: {  	_ =	shalt  }
0x72: {  	_ =	shalt  }
0x73: {  	_ =	shalt  }
0x74: {  	_ =	shalt  }
0x75: {  	_ =	shalt  }
0x76: {  	_ =	shalt  }
0x77: {  	_ =	shalt  }
0x78: {  	_ =	shalt  }
0x79: {  	_ =	shalt  }
0x7a: {  	_ =	shalt  }
0x7b: {  	_ =	shalt  }
0x7c: {  	_ =	shalt  }
0x7d: {  	_ =	shalt  }
0x7e: {  	_ =	shalt  }
0x7f: {  	_ =	shalt  }
0x80: {  	_ =	shalt  }
0x81: {  	_ =	shalt  }
0x82: {  	_ =	shalt  }
0x83: {  	_ =	shalt  }
0x84: {  	_ =	shalt  }
0x85: {  	_ =	shalt  }
0x86: {  	_ =	shalt  }
0x87: {  	_ =	shalt  }
.Lfunc_end0:
.L_simem_size_0:
called_computation_lowered:
.L_overlay_start_0:
0x88: {  	s2 =	sld [smem:$0x3FD9]  }
0x89: {  	s3 =	sld [smem:$0x3FFE];
	_ =	sdelay $0x1  }
0x8a: {  	s1 =	srdreg.scid  }
0x8b: {  	s0 =	sand.u32 $0x1, s1  }
0x8c: {  	s17 =	sshll.u32 s0, $0xA;
	s2 =	sadd.s32 s3, s2  }
0x8d: {  	s2 =	sadd.s32 s2, s17  }
0x8e: {  	[smem:$0x3FB2] =	sst s2  }
0x8f: {  	_ = 	snop  }
0x90: {  	s2 =	sld [smem:$0x3FC9]  }
0x91: {  	s18 =	sld [smem:$0x3FD0];
	(tm) =	ssettm $0x1  }
0x92: {  	s4 =	sld [smem:$0x3FFB];
	_ =	sdelay $0x3  }
0x93: {  	_ =	strace s4  }
0x94: {  	s4 =	sld [smem:$0x3FFC];
	_ =	sdelay $0x3  }
0x95: {  	_ =	strace s4  }
0x96: {  	s4 =	sld [smem:$0x3FFD];
	_ =	sdelay $0x3  }
0x97: {  	_ =	strace s4  }
0x98: {  	_ =	strace $0x8FFFFFFF  }
0x99: {  	s19 =	sld [smem:$0x3FDB];
	_ =	sdelay $0x1  }
0x9a: {  	s5 =	simm.s32 $_scs_section_size  }
0x9b: {  	s6 =	simm.s32 $_size__tile_overlayer_lowered;
	s7 =	simm.s32 $_tile_overlayer_lowered  }
0x9c: {  	s22 =	simm.s32 $0x1BFF;
	s21 =	sshll.u32 s7, $0x1;
	s4 =	sadd.s32 s5, s19  }
0x9d: {  	s8 =	simm.s32 $0x0;
	s20 =	sshll.u32 s6, $0x1;
	s6 =	sadd.s32 s21, s4  }
0x9e: {  	[timem:s8], [sflag:s22] =	dma.local [hbm:s6], s20  }
0x9f: {  	_ =	swait.ge [sflag:s22], s20  }
0xa0: {  	s5 =	ssub.s32 $0x0, s20;
	[sflag:s22] =	ssyncset.done $0x0  }
0xa1: {  	[sflag:s22] =	ssyncadd.s32 s5;
	_ =	sdelay $0x1  }
0xa2: {  	s23 =	simm.s32 $0x1B8B  }
0xa3: {  	_ =	swait.ge [sflag:s23], $0x1  }
0xa4: {  	[sflag:s23] =	ssyncset.done $0x0  }
0xa5: {  	s25 =	simm.s32 $0x1B8E;
	s24 =	sld [smem:$0x3FFE];
	[sflag:s23] =	ssyncadd.s32 $0xFFFFFFFF  }
0xa6: {  	s26 =	simm.s32 $execute0_lowered;
	[smem:$0x3FD2] =	sst s25  }
0xa7: {  	s6 =	sshll.u32 s26, $0x1;
	_ =	strace $0x80000046;
	[dreg:$0x1] =	wrdreg $0xFFFFFFFF  }
0xa8: {  	s28 =	simm.s32 $_size_execute0_lowered;
	s4 =	sadd.s32 s4, s6;
	[dreg:$0x0] =	wrdreg $0x0  }
0xa9: {  	s6 =	sshll.u32 s28, $0x1;
	[dreg:$0x2] =	wrdreg s4  }
0xaa: {  	[dreg:$0x3] =	wrdreg s6  }
0xab: {  	[dreg:$0x4] =	wrdreg $0xC0  }
0xac: {  	_ =	task [dreg:s8], $0x5FFFF  }
0xad: {  	[dreg:$0x1] =	wrdreg $0xFFFFFFFF  }
0xae: {  	[dreg:$0x0] =	wrdreg $0x60  }
0xaf: {  	[dreg:$0x2] =	wrdreg s2  }
0xb0: {  	[dreg:$0x3] =	wrdreg s18  }
0xb1: {  	[dreg:$0x4] =	wrdreg s24  }
0xb2: {  	[dreg:$0x5] =	wrdreg $0x64D00  }
0xb3: {  	[dreg:$0x6] =	wrdreg $0x9  }
0xb4: {  	_ =	task.clear_ibuf [dreg:s8], $0x7FFFF;
	_ =	strace $0x90000046  }
0xb5: {  	s29 =	simm.s32 $0x9;
	_ =	strace $0x80000048  }
0xb6: {  	_ =	swait.ge [sflag:s29], $0x1  }
0xb7: {  	[sflag:s29] =	ssyncadd.s32 $0xFFFFFFFF  }
0xb8: {  	_ =	strace $0x90000048  }
0xb9: {  	_ =	sfence  }
0xba: {  	s30 =	sld [smem:$0x0];
	_ =	sdelay $0x2  }
0xbb: {  	s31 =	sshll.u32 s1, $0xD;
	s1 =	sshrl.u32 s1, $0x2  }
0xbc: {  	s3 =	sand.u32 $0x4000, s31;
	s1 =	sadd.s32 s1, s30  }
0xbd: {  	s0 =	sor.u32 s3, s0;
	s1 =	sshll.u32 s1, $0x11  }
0xbe: {  	s0 =	sor.u32 s1, s0  }
0xbf: {  	s0 =	sadd.s32 $0x8F2B, s0  }
0xc0: {  	[sflag:s0] =	ssyncadd.remote.s32 $0x1  }
0xc1: {  	_ =	sfence.sel $0xFFFF  }
0xc2: {  	[dreg:$0x0] =	wrdreg $0xFFFFFFFF;
	(pc) =	sbr.abs _section_cstart, $3  }
0xc3: {  	[dreg:$0x1] =	wrdreg $0xFFFFFFFF  }
0xc4: {  	_ =	task.clear_ibuf [dreg:s8], $0x2FFFF;
	_ =	strace $0x9FFFFFFF  }
0xc5: {  	(tm) =	ssettm $0x7FFFFFFF  }
tec
execute0_lowered:
.L_overlay_start_1:
0x0: {  	(tag) =	ssettag $0x1  }
0x1: {  	s19 =	rddreg [dreg:$0x0]  }
0x2: {  	s1 =	srdreg.scid;
	s0 =	stileid.u32  }
0x3: {  	s17 =	rddreg [dreg:$0x1];
	s4 =	smul.u32 $0x13880, s0  }
0x4: {  	s5 =	rddreg [dreg:$0x2];
	s7 =	smul.u32 $0x4E200, s0  }
0x5: {  	s2 =	rddreg [dreg:$0x3];
	s21 =	smul.u32 $0x138800, s0  }
0x6: {  	s3 =	simm.s32 $0x0;
	s15 =	sand.u32 $0x1, s1;
	s26 =	smul.u32 $0x514, s0  }
0x7: {  	[smem:$0x7FF] =	sst s3;
	s6 =	smul.u32 $0x138800, s15  }
0x8: {  	s28 =	simm.s32 $0x0;
	_ =	strace $0x80000047;
	s25 =	smul.u32 $0x1388000, s15  }
0x9: {  	s23 =	ssub.s32 $0x2, s15;
	s8 =	sshll.u32 s15, $0x4;
	s22 =	smul.u32 $0x5140, s15  }
0xa: {  	s24 =	sshrl.u32 s23, $0x1;
	s7 =	sshrl.u32 s7, $0x2;
	s9 =	sor.u32 s0, s8  }
0xb: {  	s6 =	sadd.s32 s4, s6;
	s14 =	ssub.s32 s23, s24;
	s11 =	smul.u32 $0x64, s9  }
0xc: {  	s10 =	sadd.s32 s7, s2;
	s4 =	sadd.s32 s4, s2;
	s12 =	smul.u32 $0x138800, s9  }
0xd: {  	s16 =	smul.u32 $0x514, s9;
	s21 =	sadd.s32 s21, s25;
	s23 =	simm.s32 $0x3200  }
0xe: {  	s24 =	simm.s32 $0x6468;
	s25 =	simm.s32 $0x64;
	s6 =	sshrl.u32 s6, $0x3  }
0xf: {  	s7 =	sadd.s32 $0x9600, s10;
	s8 =	sadd.s32 $0xC800, s10;
	s9 =	sadd.s32 $0xFA00, s10  }
0x10: {  	s14 =	smax.u32 s14, $0x1;
	s29 =	sadd.s32 $0x2713200, s21;
	s31 =	sadd.s32 $0x2716400, s21  }
0x11: {  	s21 =	simm.s32 $0x6400;
	s13 =	sadd.s32 s6, s5;
	s5 =	sadd.s32 $0x3200, s10  }
0x12: {  	s6 =	sadd.s32 $0x6400, s10;
	s11 =	sadd.s32 $0x63, s11;
	s12 =	sshrl.u32 s12, $0x3  }
0x13: {  	s10 =	sadd.s32 $0x12C00, s10;
	s30 =	sshrl.u32 s29, $0x3;
	s18 =	smul.u32 $0x3200, s11  }
0x14: {  	s12 =	sadd.s32 s19, s12;
	s20 =	smul.u32 $0xD, s11;
	s13 =	sadd.s32 $0x3600, s13  }
0x15: {  	s11 =	sadd.s32 $0x4E2000, s12;
	s12 =	sadd.s32 s17, s16;
	s18 =	sshrl.u32 s18, $0x3  }
0x16: {  	s16 =	sadd.s32 s17, s20;
	s17 =	sadd.s32 s22, s17;
	s20 =	sshrl.u32 s31, $0x3  }
0x17: {  	s22 =	simm.s32 $0x1;
	s18 =	sadd.s32 s19, s18;
	s17 =	sadd.s32 s26, s17  }
0x18: {  	s26 =	simm.s32 $0x2;
	s15 =	sadd.s32 $0x4E2000, s18;
	s17 =	sadd.s32 $0xD, s17  }
0x19: {  	v0 =	vimm.f32 $0.0e+00;
	s18 =	sadd.s32 s30, s19;
	s19 =	sadd.s32 s20, s19;
	s20 =	simm.s32 $0x3  }
.LBB2_1:
0x1a: {  	s29 =	simm.s32 $0x0;
	s30 =	simm.s32 $0x200  }
.LBB2_2:
0x1b: {  	p0 =	sne.s32 s30, $0xC600;
	[tilespmem:s29+$0x70] =	vst v0  }
0x1c: {  	[tilespmem:s29+$0x0] =	vst v0  }
0x1d: {  	[tilespmem:s29+$0x10] =	vst v0  }
.Ltmp0:
0x1e: {  	[tilespmem:s29+$0x20] =	vst v0;
	(pc) =	sbr.rel @p0 .LBB2_2-.Ltmp0, $4  }
0x1f: {  	[tilespmem:s29+$0x30] =	vst v0  }
0x20: {  	[tilespmem:s29+$0x40] =	vst v0  }
0x21: {  	[tilespmem:s29+$0x50] =	vst v0  }
0x22: {  	[tilespmem:s29+$0x60] =	vst v0;
	s29 =	sshra.s32 s30, $0x2;
	s30 =	sadd.s32 $0x200, s30  }
0x23: {  	[tilespmem:s29+$0x70] =	vst v0  }
0x24: {  	[tilespmem:s29+$0x0] =	vst v0  }
0x25: {  	[tilespmem:s29+$0x10] =	vst v0  }
0x26: {  	[tilespmem:s29+$0x20] =	vst v0  }
0x27: {  	[tilespmem:s29+$0x30] =	vst v0  }
0x28: {  	[tilespmem:s29+$0x40] =	vst v0  }
0x29: {  	[tilespmem:s29+$0x50] =	vst v0  }
0x2a: {  	[tilespmem:s29+$0x60] =	vst v0;
	s29 =	simm.s32 $0x0  }
0x2b: {  	[spmem:s4] =	stream.linear.scatter [tilespmem:s29], [sflag:$0x3], $0x3200, $0x38;
	[tilespmem:$0x19D50] =	vst v63  }
0x2c: {  	_ =	swait.ge [sflag:s20], $0x3200  }
0x2d: {  	[sflag:s20] =	ssyncset.done $0x0  }
0x2e: {  	[sflag:s20] =	ssyncadd.s32 $0xFFFFCE00  }
0x2f: {  	[spmem:s5] =	stream.linear.scatter [tilespmem:s29], [sflag:$0x3], $0x3200, $0x38;
	[tilespmem:$0x19D50] =	vst v63  }
0x30: {  	_ =	swait.ge [sflag:s20], $0x3200  }
0x31: {  	[sflag:s20] =	ssyncset.done $0x0  }
0x32: {  	[sflag:s20] =	ssyncadd.s32 $0xFFFFCE00  }
0x33: {  	[spmem:s6] =	stream.linear.scatter [tilespmem:s29], [sflag:$0x3], $0x3200, $0x38;
	[tilespmem:$0x19D50] =	vst v63  }
0x34: {  	_ =	swait.ge [sflag:s20], $0x3200  }
0x35: {  	[sflag:s20] =	ssyncset.done $0x0  }
0x36: {  	[sflag:s20] =	ssyncadd.s32 $0xFFFFCE00  }
0x37: {  	[spmem:s7] =	stream.linear.scatter [tilespmem:s29], [sflag:$0x3], $0x3200, $0x38;
	[tilespmem:$0x19D50] =	vst v63  }
0x38: {  	_ =	swait.ge [sflag:s20], $0x3200  }
0x39: {  	[sflag:s20] =	ssyncset.done $0x0  }
0x3a: {  	[sflag:s20] =	ssyncadd.s32 $0xFFFFCE00  }
0x3b: {  	[spmem:s8] =	stream.linear.scatter [tilespmem:s29], [sflag:$0x3], $0x3200, $0x38;
	[tilespmem:$0x19D50] =	vst v63  }
0x3c: {  	_ =	swait.ge [sflag:s20], $0x3200  }
0x3d: {  	[sflag:s20] =	ssyncset.done $0x0  }
0x3e: {  	[sflag:s20] =	ssyncadd.s32 $0xFFFFCE00  }
0x3f: {  	[spmem:s9] =	stream.linear.scatter [tilespmem:s29], [sflag:$0x3], $0x3200, $0x38;
	[tilespmem:$0x19D50] =	vst v63  }
0x40: {  	_ =	swait.ge [sflag:s20], $0x3200  }
0x41: {  	[sflag:s20] =	ssyncset.done $0x0  }
0x42: {  	[sflag:s20] =	ssyncadd.s32 $0xFFFFCE00  }
0x43: {  	[spmem:s10] =	stream.linear.scatter [tilespmem:s29], [sflag:$0x3], $0xC80, $0x38;
	[tilespmem:$0x19D50] =	vst v63  }
0x44: {  	_ =	swait.ge [sflag:s20], $0xC80  }
0x45: {  	[sflag:s20] =	ssyncset.done $0x0  }
0x46: {  	[sflag:s20] =	ssyncadd.s32 $0xFFFFF380  }
0x47: {  	[bflag:$0x0] =	sbarrier.arrive $0xFFFF  }
0x48: {  	[tilespmem:s29], [sflag:$0x1] =	stream.linear.gather [hbm4b:s11+s29], $0x3200, $0x38;
	[tilespmem:$0x19D50] =	vst v63  }
0x49: {  	_ = 	snop  }
0x4a: {  	[tilespmem:s21], [sflag:$0x1] =	stream.linear.gather [hbm4b:s12+s29], $0x68, $0x38;
	[tilespmem:$0x19D50] =	vst v63  }
0x4b: {  	_ =	swait.ge [sflag:s22], $0x3200  }
0x4c: {  	[sflag:s22] =	ssyncset.done $0x0  }
0x4d: {  	[sflag:s22] =	ssyncadd.s32 $0xFFFFCE00  }
0x4e: {  	_ =	swait.ge [sflag:s22], $0x68  }
0x4f: {  	[sflag:s22] =	ssyncset.done $0x0  }
0x50: {  	s29 =	sadd.s32 $0x0, s18;
	[sflag:s22] =	ssyncadd.s32 $0xFFFFFF98  }
0x51: {  	[tilespmem:s23], [sflag:$0x2] =	stream.linear.gather [hbm4b:s29+s3], $0x3200, $0x38;
	[tilespmem:$0x19D50] =	vst v63  }
0x52: {  	_ = 	snop  }
0x53: {  	[tilespmem:s24], [sflag:$0x2] =	stream.linear.gather [hbm4b:s17+s3], $0x68, $0x38;
	[tilespmem:$0x19D50] =	vst v63  }
0x54: {  	_ = 	snop  }
0x55: {  	[spmem:s2] =	stream.indirect.scatter.add.f32 [tilespmem:s3], [sflag:$0x3], $0x80, s21, s25, $0xb8;
	[tilespmem:$0x19D50] =	vst v63  }
0x56: {  	_ =	swait.ge [sflag:s20], $0x3200  }
0x57: {  	[sflag:s20] =	ssyncset.done $0x0  }
0x58: {  	[sflag:s20] =	ssyncadd.s32 $0xFFFFCE00  }
0x59: {  	_ =	swait.ge [sflag:s26], $0x3200  }
0x5a: {  	[sflag:s26] =	ssyncset.done $0x0  }
0x5b: {  	[sflag:s26] =	ssyncadd.s32 $0xFFFFCE00  }
0x5c: {  	_ =	swait.ge [sflag:s26], $0x68  }
0x5d: {  	[sflag:s26] =	ssyncset.done $0x0  }
0x5e: {  	s29 =	sadd.s32 $0x0, s19;
	[sflag:s26] =	ssyncadd.s32 $0xFFFFFF98  }
0x5f: {  	[tilespmem:s3], [sflag:$0x1] =	stream.linear.gather [hbm4b:s29+s3], $0x3200, $0x38;
	[tilespmem:$0x19D50] =	vst v63  }
0x60: {  	s29 =	sadd.s32 $0xD, s17  }
0x61: {  	[tilespmem:s21], [sflag:$0x1] =	stream.linear.gather [hbm4b:s29+s3], $0x68, $0x38;
	[tilespmem:$0x19D50] =	vst v63  }
0x62: {  	_ = 	snop  }
0x63: {  	[spmem:s2] =	stream.indirect.scatter.add.f32 [tilespmem:s23], [sflag:$0x3], $0x80, s24, s25, $0xb8;
	[tilespmem:$0x19D50] =	vst v63  }
0x64: {  	_ =	swait.ge [sflag:s20], $0x3200  }
0x65: {  	s30 =	smov.u32 s17;
	s29 =	simm.s32 $0xC80;
	[sflag:s20] =	ssyncset.done $0x0  }
.LBB2_4:
0x66: {  	p0 =	sne.s32 s29, $0x25800;
	[sflag:s20] =	ssyncadd.s32 $0xFFFFCE00;
	s30 =	sadd.s32 $0x1A, s30  }
0x67: {  	s31 =	smov.u32 s29;
	s29 =	sadd.s32 $0xC80, s29  }
0x68: {  	_ =	swait.ge [sflag:s22], $0x3200  }
0x69: {  	[sflag:s22] =	ssyncset.done $0x0  }
0x6a: {  	[sflag:s22] =	ssyncadd.s32 $0xFFFFCE00  }
0x6b: {  	_ =	swait.ge [sflag:s22], $0x68  }
0x6c: {  	[sflag:s22] =	ssyncset.done $0x0  }
0x6d: {  	s1 =	sadd.s32 s31, s18;
	[sflag:s22] =	ssyncadd.s32 $0xFFFFFF98  }
0x6e: {  	[tilespmem:s23], [sflag:$0x2] =	stream.linear.gather [hbm4b:s1+s3], $0x3200, $0x38;
	[tilespmem:$0x19D50] =	vst v63  }
0x6f: {  	_ = 	snop  }
0x70: {  	[tilespmem:s24], [sflag:$0x2] =	stream.linear.gather [hbm4b:s30+s3], $0x68, $0x38;
	[tilespmem:$0x19D50] =	vst v63  }
0x71: {  	_ = 	snop  }
0x72: {  	[spmem:s2] =	stream.indirect.scatter.add.f32 [tilespmem:s3], [sflag:$0x3], $0x80, s21, s25, $0xb8;
	[tilespmem:$0x19D50] =	vst v63  }
0x73: {  	_ =	swait.ge [sflag:s20], $0x3200  }
0x74: {  	[sflag:s20] =	ssyncset.done $0x0  }
0x75: {  	[sflag:s20] =	ssyncadd.s32 $0xFFFFCE00  }
0x76: {  	_ =	swait.ge [sflag:s26], $0x3200  }
0x77: {  	[sflag:s26] =	ssyncset.done $0x0  }
0x78: {  	[sflag:s26] =	ssyncadd.s32 $0xFFFFCE00  }
0x79: {  	_ =	swait.ge [sflag:s26], $0x68  }
0x7a: {  	[sflag:s26] =	ssyncset.done $0x0  }
0x7b: {  	s1 =	sadd.s32 s31, s19;
	[sflag:s26] =	ssyncadd.s32 $0xFFFFFF98  }
0x7c: {  	[tilespmem:s3], [sflag:$0x1] =	stream.linear.gather [hbm4b:s1+s3], $0x3200, $0x38;
	[tilespmem:$0x19D50] =	vst v63  }
0x7d: {  	s1 =	sadd.s32 $0xD, s30  }
0x7e: {  	[tilespmem:s21], [sflag:$0x1] =	stream.linear.gather [hbm4b:s1+s3], $0x68, $0x38;
	[tilespmem:$0x19D50] =	vst v63  }
.Ltmp1:
0x7f: {  	_ = 	snop;
	(pc) =	sbr.rel @p0 .LBB2_4-.Ltmp1, $4  }
0x80: {  	_ = 	snop  }
0x81: {  	[spmem:s2] =	stream.indirect.scatter.add.f32 [tilespmem:s23], [sflag:$0x3], $0x80, s24, s25, $0xb8;
	[tilespmem:$0x19D50] =	vst v63  }
0x82: {  	_ =	swait.ge [sflag:s20], $0x3200  }
0x83: {  	[sflag:s20] =	ssyncset.done $0x0  }
0x84: {  	[sflag:s20] =	ssyncadd.s32 $0xFFFFCE00  }
0x85: {  	_ =	swait.ge [sflag:s22], $0x3200  }
0x86: {  	[sflag:s22] =	ssyncset.done $0x0  }
0x87: {  	[sflag:s22] =	ssyncadd.s32 $0xFFFFCE00  }
0x88: {  	_ =	swait.ge [sflag:s22], $0x68  }
0x89: {  	[sflag:s22] =	ssyncset.done $0x0  }
0x8a: {  	[sflag:s22] =	ssyncadd.s32 $0xFFFFFF98  }
0x8b: {  	[tilespmem:s23], [sflag:$0x2] =	stream.linear.gather [hbm4b:s15+s3], $0x3200, $0x38;
	[tilespmem:$0x19D50] =	vst v63  }
0x8c: {  	_ = 	snop  }
0x8d: {  	[tilespmem:s24], [sflag:$0x2] =	stream.linear.gather [hbm4b:s16+s3], $0x68, $0x38;
	[tilespmem:$0x19D50] =	vst v63  }
0x8e: {  	_ = 	snop  }
0x8f: {  	[spmem:s2] =	stream.indirect.scatter.add.f32 [tilespmem:s3], [sflag:$0x3], $0x80, s21, s25, $0xb8;
	[tilespmem:$0x19D50] =	vst v63  }
0x90: {  	_ =	swait.ge [sflag:s20], $0x3200  }
0x91: {  	[sflag:s20] =	ssyncset.done $0x0  }
0x92: {  	[sflag:s20] =	ssyncadd.s32 $0xFFFFCE00  }
0x93: {  	_ =	swait.ge [sflag:s26], $0x3200  }
0x94: {  	[sflag:s26] =	ssyncset.done $0x0  }
0x95: {  	[sflag:s26] =	ssyncadd.s32 $0xFFFFCE00  }
0x96: {  	_ =	swait.ge [sflag:s26], $0x68  }
0x97: {  	[sflag:s26] =	ssyncset.done $0x0  }
0x98: {  	[sflag:s26] =	ssyncadd.s32 $0xFFFFFF98  }
0x99: {  	[spmem:s2] =	stream.indirect.scatter.add.f32 [tilespmem:s23], [sflag:$0x3], $0x80, s24, s25, $0xb8;
	[tilespmem:$0x19D50] =	vst v63  }
0x9a: {  	_ =	swait.ge [sflag:s20], $0x3200  }
0x9b: {  	s1 =	sshll.u32 s0, $0x6;
	s28 =	sadd.s32 $0x1, s28;
	[sflag:s20] =	ssyncset.done $0x0  }
0x9c: {  	s29 =	sshrl.u32 s4, $0x3;
	p0 =	sne.s32 s28, s14;
	[sflag:s20] =	ssyncadd.s32 $0xFFFFCE00  }
.Ltmp2:
0x9d: {  	s1 =	sor.u32 $0x1C03, s1;
	[bflag:$0x0] =	sbarrier.arrive $0xFFFF;
	(pc) =	sbr.rel @p0 .LBB2_1-.Ltmp2, $4  }
0x9e: {  	[hbm:s13], [sflag:s1] =	dma.local [spmem:s29], $0x2710  }
0x9f: {  	_ =	swait.ge [sflag:s20], $0x2710  }
0xa0: {  	[sflag:s20] =	ssyncset.done $0x0  }
0xa1: {  	[sflag:s20] =	ssyncadd.s32 $0xFFFFD8F0  }
0xa2: {  	_ =	sfence.sel $0x180000  }
0xa3: {  	[bflag:$0x0] =	sbarrier.arrive $0xFFFF  }
0xa4: {  	_ =	strace $0x90000047  }
0xa5: {  	[bflag:$0x2] =	sbarrier.arrive $0xFFFF  }
0xa6: {  	p0 =	sne.s32 s0, $0x0;
	s0 =	rddreg [dreg:$0x4]  }
0xa7: {  	s0 =	sadd.s32 @!p0 $0x100000, s0  }
0xa8: {  	[sflag:s0] =	ssyncadd.tile.s32 @!p0 $0x1;
	_ =	shalt  }
.Lfunc_end2:
_tile_overlayer_lowered:
.L_overlay_start_2:
0xa9: {  	(tag) =	ssettag $0x2  }
0xaa: {  	s0 =	rddreg [dreg:$0x0];
	s2 =	stileid.u32  }
0xab: {  	s1 =	rddreg [dreg:$0x1];
	p0 =	sne.s32 s2, $0x0  }
0xac: {  	s3 =	rddreg [dreg:$0x2];
	[bflag:$0x3] =	sbarrier.arrive $0xFFFF;
	s2 =	simm.s32 @!p0 $0x1C03  }
0xad: {  	[timem:s3], [sflag:s2] =	dma.local @!p0 [hbm:s0], s1  }
0xae: {  	s0 =	simm.s32 @!p0 $0x3  }
0xaf: {  	_ =	swait.ge @!p0 [sflag:s0], s1  }
0xb0: {  	s1 =	ssub.s32 @!p0 $0x0, s1;
	[sflag:s0] =	ssyncset.done @!p0 $0x0  }
0xb1: {  	[sflag:s0] =	ssyncadd.s32 @!p0 s1  }
0xb2: {  	[bflag:$0x3] =	sbarrier.arrive $0xFFFF  }
0xb3: {  	_ =	shalt  }

</sc_bundles>
